<compile_context>
chip_gen: v7x
topology: tpu7x:2x2x1
jax: 0.10.2.dev20260603
libtpu: 0.0.44.dev20260713+nightly
codegen_flags: <defaults>
</compile_context>

<pallas_src>
import functools

import jax
import jax.numpy as jnp
from jax import lax
from jax.experimental import pallas as pl
from jax.experimental.pallas import tpu as pltpu
from jax.experimental.pallas import tpu_sc as plsc

NC, NS = 2, 16
NW = NC * NS
EB = 96
KU = 3


def _pre_body(x_ref, labm_ref, wfct_ref, wfc2t_ref, mu_ref, sg_ref,
              vfr_ref, wu_ref):
    x = x_ref[...]
    z = jnp.dot(x, wfct_ref[...], preferred_element_type=jnp.float32)
    u = jnp.dot(x, wfc2t_ref[...], preferred_element_type=jnp.float32)
    t = (z - mu_ref[...]) * sg_ref[...]
    wu_ref[...] = jnp.exp(-0.5 * t * t) * u
    vfr_ref[...] = x * labm_ref[...]


def _pre(x, labm, wfct, wfc2t, mu_row, sg_row, block):
    n, d = x.shape
    grid = (n + block - 1) // block
    return pl.pallas_call(
        _pre_body,
        grid=(grid,),
        in_specs=[
            pl.BlockSpec((block, d), lambda i: (i, 0)),
            pl.BlockSpec((block, d), lambda i: (i, 0)),
            pl.BlockSpec((d, d), lambda i: (0, 0)),
            pl.BlockSpec((d, d), lambda i: (0, 0)),
            pl.BlockSpec((1, d), lambda i: (0, 0)),
            pl.BlockSpec((1, d), lambda i: (0, 0)),
        ],
        out_specs=[
            pl.BlockSpec((block, d), lambda i: (i, 0)),
            pl.BlockSpec((block, d), lambda i: (i, 0)),
        ],
        out_shape=[
            jax.ShapeDtypeStruct((n, d), jnp.float32),
            jax.ShapeDtypeStruct((n, d), jnp.float32),
        ],
    )(x, labm, wfct, wfc2t, mu_row, sg_row)


def _make_seg(n_pad, d, e_pad, nchunks):
    mesh = plsc.VectorSubcoreMesh(core_axis_name="c", subcore_axis_name="s",
                                  num_cores=NC, num_subcores=NS)
    rpw = n_pad // NS

    @functools.partial(
        pl.kernel,
        out_type=jax.ShapeDtypeStruct((3 * NC, n_pad, d), jnp.float32),
        mesh=mesh,
        scratch_types=[
            [pltpu.VMEM((2, EB), jnp.int32)] * KU,
            [pltpu.VMEM((EB, d), jnp.float32)] * KU,
            pltpu.VMEM_SHARED((n_pad, d), jnp.float32),
            [pltpu.SemaphoreType.DMA] * KU,
            [pltpu.SemaphoreType.DMA] * KU,
            [pltpu.SemaphoreType.DMA] * KU,
        ],
    )
    def seg(xt, vfrt, wut, idxp, zrows, out, ib, rows, acc, isem, gsem, ssem):
        c = lax.axis_index("c")
        s = lax.axis_index("s")
        r0 = s * rpw
        wid = c * NS + s
        cbase = wid * nchunks

        for ch, tab in enumerate((xt, vfrt, wut)):
            pltpu.sync_copy(zrows, acc.at[pl.ds(r0, rpw)])
            plsc.subcore_barrier()

            def body(k, carry, tab=tab):
                c0 = cbase + k * KU
                icpy = [pltpu.async_copy(idxp.at[c0 + j], ib[j], isem[j])
                        for j in range(KU)]
                gcpy = []
                for j in range(KU):
                    icpy[j].wait()
                    gcpy.append(pltpu.async_copy(tab.at[ib[j].at[0]], rows[j],
                                                 gsem[j]))
                scpy = []
                for j in range(KU):
                    gcpy[j].wait()
                    scpy.append(pltpu.async_copy(rows[j], acc.at[ib[j].at[1]],
                                                 ssem[j], add=True))
                for j in range(KU):
                    scpy[j].wait()
                return carry

            lax.fori_loop(0, nchunks // KU, body, 0)
            plsc.subcore_barrier()
            for cc in range(NC):
                @pl.when(c == cc)
                def _(ch=ch, cc=cc):
                    pltpu.sync_copy(acc.at[pl.ds(r0, rpw)],
                                    out.at[ch * NC + cc, pl.ds(r0, rpw)])
            plsc.subcore_barrier()

    return seg


def _post_body(x_ref, p_ref, wtfrt_ref, btfr_ref, wfrt_ref, bfr_ref,
               wtbet_ref, btbe_ref, wbet_ref, bbe_ref, wbal_ref, bbal_ref,
               wselft_ref, bself_ref, wfc3t_ref, out_ref):
    x = x_ref[...]
    tot = p_ref[0] + p_ref[1]
    fr = p_ref[2] + p_ref[3]
    kern = p_ref[4] + p_ref[5]
    be = tot - fr
    t_fr = jnp.dot(x, wtfrt_ref[...], preferred_element_type=jnp.float32) + btfr_ref[...]
    out_fr = jnp.maximum(
        jnp.dot(fr * t_fr, wfrt_ref[...], preferred_element_type=jnp.float32)
        + bfr_ref[...], 0.0)
    t_be = jnp.dot(x, wtbet_ref[...], preferred_element_type=jnp.float32) + btbe_ref[...]
    out_be = jnp.maximum(
        jnp.dot(be * t_be, wbet_ref[...], preferred_element_type=jnp.float32)
        + bbe_ref[...], 0.0)
    ball = (jnp.sum(x * wbal_ref[...], axis=1, keepdims=True)
            + bbal_ref[...][:, :1])
    bal = jax.nn.sigmoid(jnp.maximum(ball, 0.0))
    h = jnp.dot(x, wselft_ref[...], preferred_element_type=jnp.float32) + bself_ref[...]
    h = h + bal * out_be + (1.0 - bal) * out_fr
    h = h + jnp.dot(kern, wfc3t_ref[...], preferred_element_type=jnp.float32)
    out_ref[...] = jnp.where(h > 0, h, 0.01 * h)


def _post(x, p6, wtfrt, btfr, wfrt, bfr, wtbet, btbe, wbet, bbe, wbal, bbal,
          wselft, bself, wfc3t, block):
    n, d = x.shape
    grid = (n + block - 1) // block
    row = lambda i: (0, 0)
    return pl.pallas_call(
        _post_body,
        grid=(grid,),
        in_specs=[
            pl.BlockSpec((block, d), lambda i: (i, 0)),
            pl.BlockSpec((6, block, d), lambda i: (0, i, 0)),
            pl.BlockSpec((d, d), row), pl.BlockSpec((1, d), row),
            pl.BlockSpec((d, d), row), pl.BlockSpec((1, d), row),
            pl.BlockSpec((d, d), row), pl.BlockSpec((1, d), row),
            pl.BlockSpec((d, d), row), pl.BlockSpec((1, d), row),
            pl.BlockSpec((1, d), row), pl.BlockSpec((1, d), row),
            pl.BlockSpec((d, d), row), pl.BlockSpec((1, d), row),
            pl.BlockSpec((d, d), row),
        ],
        out_specs=pl.BlockSpec((block, d), lambda i: (i, 0)),
        out_shape=jax.ShapeDtypeStruct((n, d), jnp.float32),
    )(x, p6, wtfrt, btfr, wfrt, bfr, wtbet, btbe, wbet, bbe, wbal, bbal,
      wselft, bself, wfc3t)


def kernel(x, edge_index, labels, W_fc, W_fc2, W_fc3, mu, inv_sigma,
           W_fr, b_fr, Wt_fr, bt_fr, W_be, b_be, Wt_be, bt_be,
           W_bal, b_bal, W_self, b_self):
    n, d = x.shape
    e = edge_index.shape[1]

    src = edge_index[0].astype(jnp.int32)
    dst = edge_index[1].astype(jnp.int32)
    chunk = NW * EB * KU
    e_pad = ((e + chunk - 1) // chunk) * chunk
    pad = e_pad - e
    if pad:
        src = jnp.concatenate([src, jnp.zeros((pad,), jnp.int32)])
        dst = jnp.concatenate([dst, jnp.full((pad,), n, jnp.int32)])
        n_min = n + 1
    else:
        n_min = n
    n_pad = ((n_min + NS * 8 - 1) // (NS * 8)) * (NS * 8)
    nchunks = e_pad // (NW * EB)
    idxp = jnp.stack([src.reshape(-1, EB), dst.reshape(-1, EB)], axis=1)

    labm = jnp.broadcast_to((labels == 1).astype(jnp.float32)[:, None], (n, d))
    mu_row = mu.reshape(1, d)
    sg_row = inv_sigma.reshape(1, d)

    vfr, wu = _pre(x, labm, W_fc.T, W_fc2.T, mu_row, sg_row, block=1000)

    zrows = jnp.zeros((n_pad // NS, d), jnp.float32)
    seg = _make_seg(n_pad, d, e_pad, nchunks)
    p = seg(x, vfr, wu, idxp, zrows)
    p6 = p[:, :n, :] if n_pad != n else p

    rst = _post(
        x, p6,
        Wt_fr.T, bt_fr.reshape(1, d), W_fr.T, b_fr.reshape(1, d),
        Wt_be.T, bt_be.reshape(1, d), W_be.T, b_be.reshape(1, d),
        W_bal.reshape(1, d), jnp.broadcast_to(b_bal.reshape(1, 1), (1, d)),
        W_self.T, b_self.reshape(1, d), W_fc3.T, block=1000)
    return rst

# --- scband reference (transcript-rebuilt; emitter-appended) ---
"""Pipeline reference for scband-gmpconv-75213467287977 (READ-ONLY COPY).

The authoritative reference and input builder live on the scoring server;
editing this copy changes nothing except your own understanding.
"""

import jax, jax.numpy as jnp
import numpy as np

N, E, D, K, H, O = 10000, 320000, 128, 4, 32, 128


def setup_inputs(seed: int = 0) -> dict:
    key = jax.random.key(seed)
    ks = jax.random.split(key, 24)
    x = jax.random.normal(ks[0], (N, D), dtype=jnp.float32)
    edge_index = jax.random.randint(ks[1], (2, E), 0, N).astype(jnp.int64)
    labels = jax.random.randint(ks[2], (N,), 0, 2).astype(jnp.int64)
    s = 1.0 / np.sqrt(D)
    W_fc = jax.random.normal(ks[3], (K * H, D), dtype=jnp.float32) * s
    W_fc2 = jax.random.normal(ks[4], (K * H, D), dtype=jnp.float32) * s
    W_fc3 = jax.random.normal(ks[5], (O, K * H), dtype=jnp.float32) * (1.0 / np.sqrt(K * H))
    mu = jax.random.normal(ks[6], (K, H), dtype=jnp.float32) * 0.1
    inv_sigma = jnp.ones((K, H), dtype=jnp.float32)
    W_fr = jax.random.normal(ks[7], (O, D), dtype=jnp.float32) * s
    b_fr = jnp.zeros((O,), dtype=jnp.float32)
    Wt_fr = jax.random.normal(ks[8], (D, D), dtype=jnp.float32) * s
    bt_fr = jnp.zeros((D,), dtype=jnp.float32)
    W_be = jax.random.normal(ks[9], (O, D), dtype=jnp.float32) * s
    b_be = jnp.zeros((O,), dtype=jnp.float32)
    Wt_be = jax.random.normal(ks[10], (D, D), dtype=jnp.float32) * s
    bt_be = jnp.zeros((D,), dtype=jnp.float32)
    W_bal = jax.random.normal(ks[11], (1, D), dtype=jnp.float32) * s
    b_bal = jnp.zeros((1,), dtype=jnp.float32)
    W_self = jax.random.normal(ks[12], (O, D), dtype=jnp.float32) * s
    b_self = jnp.zeros((O,), dtype=jnp.float32)
    return {"x": x, "edge_index": edge_index, "labels": labels, "W_fc": W_fc, "W_fc2": W_fc2, "W_fc3": W_fc3, "mu": mu, "inv_sigma": inv_sigma, "W_fr": W_fr, "b_fr": b_fr, "Wt_fr": Wt_fr, "bt_fr": bt_fr, "W_be": W_be, "b_be": b_be, "Wt_be": Wt_be, "bt_be": bt_be, "W_bal": W_bal, "b_bal": b_bal, "W_self": W_self, "b_self": b_self}


def reference(x, edge_index, labels, W_fc, W_fc2, W_fc3, mu, inv_sigma, W_fr, b_fr, Wt_fr, bt_fr, W_be, b_be, Wt_be, bt_be, W_bal, b_bal, W_self, b_self):
    n = x.shape[0]
    k, h_dim = mu.shape
    src = edge_index[0]
    dst = edge_index[1]
    h = x  # feat_drop identity in eval
    m = jnp.take(h, src, axis=0)
    lab = jnp.take(labels, src, axis=0)
    is_fr = (lab == 1).astype(h.dtype)[:, None]
    neigh_fr = jax.ops.segment_sum(m * is_fr, dst, num_segments=n)
    neigh_be = jax.ops.segment_sum(m * (1.0 - is_fr), dst, num_segments=n)
    # LIMLP fraud branch (num_layers=1, tail ReLU, dropout=0)
    t_fr = h @ Wt_fr.T + bt_fr
    out_fr = jax.nn.relu((neigh_fr * t_fr) @ W_fr.T + b_fr)
    # LIMLP benign branch
    t_be = h @ Wt_be.T + bt_be
    out_be = jax.nn.relu((neigh_be * t_be) @ W_be.T + b_be)
    # balance gate
    balance = jax.nn.sigmoid(jax.nn.relu(h @ W_bal.T + b_bal))
    h_neigh = balance * out_be + (1.0 - balance) * out_fr
    # GMM kernel branch
    z = (m @ W_fc.T).reshape(-1, k, h_dim)
    u = (m @ W_fc2.T).reshape(-1, k, h_dim)
    w = jnp.exp(-0.5 * jnp.square((z - mu[None, :, :]) * inv_sigma[None, :, :]))
    kern = jax.ops.segment_sum(w * u, dst, num_segments=n).reshape(n, k * h_dim)
    h_kern = kern @ W_fc3.T
    rst = jax.nn.leaky_relu(h @ W_self.T + b_self + h_neigh + h_kern, negative_slope=0.01)
    return rst

if __name__ == "__main__":
    import jax
    _d = setup_inputs()
    print(jax.jit(kernel)(*tuple(_d.values())))

</pallas_src>

<mosaic_0001>
#map = affine_map<(d0, d1) -> (0, 0)>
#map1 = affine_map<(d0, d1) -> (0, 0, 0)>
module attributes {stable_mosaic.version = 14 : i64} {
  func.func @seg(%arg0: i32, %arg1: i32, %arg2: memref<10000x128xf32, #tpu.memory_space<hbm>>, %arg3: memref<10000x128xf32, #tpu.memory_space<hbm>>, %arg4: memref<10000x128xf32, #tpu.memory_space<hbm>>, %arg5: memref<3360x2x96xi32, #tpu.memory_space<hbm>>, %arg6: memref<632x128xf32, #tpu.memory_space<hbm>>, %arg7: memref<6x10112x128xf32, #tpu.memory_space<hbm>>, %arg8: memref<2x96xi32, #tpu.memory_space<vmem>>, %arg9: memref<2x96xi32, #tpu.memory_space<vmem>>, %arg10: memref<2x96xi32, #tpu.memory_space<vmem>>, %arg11: memref<96x128xf32, #tpu.memory_space<vmem>>, %arg12: memref<96x128xf32, #tpu.memory_space<vmem>>, %arg13: memref<96x128xf32, #tpu.memory_space<vmem>>, %arg14: memref<10112x128xf32, #tpu.memory_space<vmem_shared>>, %arg15: memref<!tpu.dma_semaphore, #tpu.memory_space<semaphore_mem>>, %arg16: memref<!tpu.dma_semaphore, #tpu.memory_space<semaphore_mem>>, %arg17: memref<!tpu.dma_semaphore, #tpu.memory_space<semaphore_mem>>, %arg18: memref<!tpu.dma_semaphore, #tpu.memory_space<semaphore_mem>>, %arg19: memref<!tpu.dma_semaphore, #tpu.memory_space<semaphore_mem>>, %arg20: memref<!tpu.dma_semaphore, #tpu.memory_space<semaphore_mem>>, %arg21: memref<!tpu.dma_semaphore, #tpu.memory_space<semaphore_mem>>, %arg22: memref<!tpu.dma_semaphore, #tpu.memory_space<semaphore_mem>>, %arg23: memref<!tpu.dma_semaphore, #tpu.memory_space<semaphore_mem>>) attributes {dimension_semantics = [#tpu.dimension_semantics<core_parallel>, #tpu.dimension_semantics<subcore_parallel>], iteration_bounds = array<i64: 2, 16>, scalar_prefetch = 0 : i64, scratch_operands = 16 : i64, tpu.core_type = #tpu.core_type<sc_vector_subcore>, window_params = [{transform_indices = #map}, {transform_indices = #map}, {transform_indices = #map}, {transform_indices = #map1}, {transform_indices = #map}, {transform_indices = #map1}]} {
    %mul3A = arith.constant 632 : i32
    %mul3A_0 = arith.muli %arg1, %mul3A : i32
    %mul3A_1 = arith.constant 16 : i32
    %mul3A_2 = arith.muli %arg0, %mul3A_1 : i32
    %add3A = arith.addi %mul3A_2, %arg1 : i32
    %mul3A_3 = arith.constant 105 : i32
    %mul3A_4 = arith.muli %add3A, %mul3A_3 : i32
    "tpu.region"() ({
      %run_scoped3A = tpu.sem_alloc : memref<!tpu.dma_semaphore, #tpu.memory_space<semaphore_mem>>
      %dma_start3A = arith.constant 0 : i32
      %dma_start3A_57 = tpu.memref_slice %arg14[%mul3A_0, %dma_start3A] : memref<10112x128xf32, #tpu.memory_space<vmem_shared>> -> memref<632x128xf32, #tpu.memory_space<vmem_shared>>
      tpu.enqueue_dma source(%arg6 : memref<632x128xf32, #tpu.memory_space<hbm>>) target(%dma_start3A_57 : memref<632x128xf32, #tpu.memory_space<vmem_shared>>) target_semaphore(%run_scoped3A : memref<!tpu.dma_semaphore, #tpu.memory_space<semaphore_mem>>)
      %dma_wait3A = arith.constant 0 : i32
      %dma_wait3A_58 = tpu.memref_slice %arg14[%mul3A_0, %dma_wait3A] : memref<10112x128xf32, #tpu.memory_space<vmem_shared>> -> memref<632x128xf32, #tpu.memory_space<vmem_shared>>
      tpu.wait_dma2 semaphore(%run_scoped3A : memref<!tpu.dma_semaphore, #tpu.memory_space<semaphore_mem>>) src(%arg6 : memref<632x128xf32, #tpu.memory_space<hbm>>) dst(%dma_wait3A_58 : memref<632x128xf32, #tpu.memory_space<vmem_shared>>)
      tpu.yield
    }) : () -> ()
    %barrier3A = arith.constant 0 : index
    tpu.barrier barrier_id(%barrier3A)
    %scan3A = arith.constant 0 : i32
    %scan3A_5 = arith.constant 0 : i32
    %scan3A_6 = arith.constant 35 : i32
    %scan3A_7 = arith.addi %scan3A_5, %scan3A_6 : i32
    %scan3A_8 = arith.constant 1 : i32
    scf.for %scan3A_57 = %scan3A_5 to %scan3A_7 step %scan3A_8  : i32 {
      %mul3A_58 = arith.constant 3 : i32
      %mul3A_59 = arith.muli %scan3A_57, %mul3A_58 : i32
      %add3A_60 = arith.addi %mul3A_4, %mul3A_59 : i32
      %add3A_61 = arith.constant 0 : i32
      %add3A_62 = arith.addi %add3A_60, %add3A_61 : i32
      %dma_start3A = arith.constant 0 : i32
      %dma_start3A_63 = arith.constant 0 : i32
      %dma_start3A_64 = tpu.memref_slice %arg5[%add3A_62, %dma_start3A, %dma_start3A_63] : memref<3360x2x96xi32, #tpu.memory_space<hbm>> -> memref<1x2x96xi32, #tpu.memory_space<hbm>>
      %dma_start3A_65 = tpu.memref_squeeze %dma_start3A_64 : memref<1x2x96xi32, #tpu.memory_space<hbm>> -> memref<2x96xi32, #tpu.memory_space<hbm>>
      %dma_start3A_66 = arith.constant 0 : i32
      %dma_start3A_67 = arith.constant 0 : i32
      %dma_start3A_68 = tpu.memref_slice %arg5[%add3A_62, %dma_start3A_66, %dma_start3A_67] : memref<3360x2x96xi32, #tpu.memory_space<hbm>> -> memref<1x2x96xi32, #tpu.memory_space<hbm>>
      %dma_start3A_69 = tpu.memref_squeeze %dma_start3A_68 : memref<1x2x96xi32, #tpu.memory_space<hbm>> -> memref<2x96xi32, #tpu.memory_space<hbm>>
      tpu.enqueue_dma source(%dma_start3A_69 : memref<2x96xi32, #tpu.memory_space<hbm>>) target(%arg8 : memref<2x96xi32, #tpu.memory_space<vmem>>) target_semaphore(%arg15 : memref<!tpu.dma_semaphore, #tpu.memory_space<semaphore_mem>>)
      %add3A_70 = arith.constant 1 : i32
      %add3A_71 = arith.addi %add3A_60, %add3A_70 : i32
      %dma_start3A_72 = arith.constant 0 : i32
      %dma_start3A_73 = arith.constant 0 : i32
      %dma_start3A_74 = tpu.memref_slice %arg5[%add3A_71, %dma_start3A_72, %dma_start3A_73] : memref<3360x2x96xi32, #tpu.memory_space<hbm>> -> memref<1x2x96xi32, #tpu.memory_space<hbm>>
      %dma_start3A_75 = tpu.memref_squeeze %dma_start3A_74 : memref<1x2x96xi32, #tpu.memory_space<hbm>> -> memref<2x96xi32, #tpu.memory_space<hbm>>
      %dma_start3A_76 = arith.constant 0 : i32
      %dma_start3A_77 = arith.constant 0 : i32
      %dma_start3A_78 = tpu.memref_slice %arg5[%add3A_71, %dma_start3A_76, %dma_start3A_77] : memref<3360x2x96xi32, #tpu.memory_space<hbm>> -> memref<1x2x96xi32, #tpu.memory_space<hbm>>
      %dma_start3A_79 = tpu.memref_squeeze %dma_start3A_78 : memref<1x2x96xi32, #tpu.memory_space<hbm>> -> memref<2x96xi32, #tpu.memory_space<hbm>>
      tpu.enqueue_dma source(%dma_start3A_79 : memref<2x96xi32, #tpu.memory_space<hbm>>) target(%arg9 : memref<2x96xi32, #tpu.memory_space<vmem>>) target_semaphore(%arg16 : memref<!tpu.dma_semaphore, #tpu.memory_space<semaphore_mem>>)
      %add3A_80 = arith.constant 2 : i32
      %add3A_81 = arith.addi %add3A_60, %add3A_80 : i32
      %dma_start3A_82 = arith.constant 0 : i32
      %dma_start3A_83 = arith.constant 0 : i32
      %dma_start3A_84 = tpu.memref_slice %arg5[%add3A_81, %dma_start3A_82, %dma_start3A_83] : memref<3360x2x96xi32, #tpu.memory_space<hbm>> -> memref<1x2x96xi32, #tpu.memory_space<hbm>>
      %dma_start3A_85 = tpu.memref_squeeze %dma_start3A_84 : memref<1x2x96xi32, #tpu.memory_space<hbm>> -> memref<2x96xi32, #tpu.memory_space<hbm>>
      %dma_start3A_86 = arith.constant 0 : i32
      %dma_start3A_87 = arith.constant 0 : i32
      %dma_start3A_88 = tpu.memref_slice %arg5[%add3A_81, %dma_start3A_86, %dma_start3A_87] : memref<3360x2x96xi32, #tpu.memory_space<hbm>> -> memref<1x2x96xi32, #tpu.memory_space<hbm>>
      %dma_start3A_89 = tpu.memref_squeeze %dma_start3A_88 : memref<1x2x96xi32, #tpu.memory_space<hbm>> -> memref<2x96xi32, #tpu.memory_space<hbm>>
      tpu.enqueue_dma source(%dma_start3A_89 : memref<2x96xi32, #tpu.memory_space<hbm>>) target(%arg10 : memref<2x96xi32, #tpu.memory_space<vmem>>) target_semaphore(%arg17 : memref<!tpu.dma_semaphore, #tpu.memory_space<semaphore_mem>>)
      %dma_wait3A = arith.constant 0 : i32
      %dma_wait3A_90 = arith.constant 0 : i32
      %dma_wait3A_91 = tpu.memref_slice %arg5[%add3A_62, %dma_wait3A, %dma_wait3A_90] : memref<3360x2x96xi32, #tpu.memory_space<hbm>> -> memref<1x2x96xi32, #tpu.memory_space<hbm>>
      %dma_wait3A_92 = tpu.memref_squeeze %dma_wait3A_91 : memref<1x2x96xi32, #tpu.memory_space<hbm>> -> memref<2x96xi32, #tpu.memory_space<hbm>>
      %dma_wait3A_93 = arith.constant 0 : i32
      %dma_wait3A_94 = arith.constant 0 : i32
      %dma_wait3A_95 = tpu.memref_slice %arg5[%add3A_62, %dma_wait3A_93, %dma_wait3A_94] : memref<3360x2x96xi32, #tpu.memory_space<hbm>> -> memref<1x2x96xi32, #tpu.memory_space<hbm>>
      %dma_wait3A_96 = tpu.memref_squeeze %dma_wait3A_95 : memref<1x2x96xi32, #tpu.memory_space<hbm>> -> memref<2x96xi32, #tpu.memory_space<hbm>>
      tpu.wait_dma2 semaphore(%arg15 : memref<!tpu.dma_semaphore, #tpu.memory_space<semaphore_mem>>) src(%dma_wait3A_96 : memref<2x96xi32, #tpu.memory_space<hbm>>) dst(%arg8 : memref<2x96xi32, #tpu.memory_space<vmem>>)
      %dma_start3A_97 = arith.constant 0 : i32
      %dma_start3A_98 = arith.constant 0 : i32
      %dma_start3A_99 = tpu.memref_slice %arg8[%dma_start3A_97, %dma_start3A_98] : memref<2x96xi32, #tpu.memory_space<vmem>> -> memref<1x96xi32, #tpu.memory_space<vmem>>
      %dma_start3A_100 = tpu.memref_squeeze %dma_start3A_99 : memref<1x96xi32, #tpu.memory_space<vmem>> -> memref<96xi32, #tpu.memory_space<vmem>>
      %dma_start3A_101 = arith.constant 0 : i32
      %dma_start3A_102 = arith.constant 0 : i32
      %dma_start3A_103 = tpu.memref_slice %arg2[%dma_start3A_101, %dma_start3A_102] : memref<10000x128xf32, #tpu.memory_space<hbm>> -> memref<10000x128xf32, #tpu.memory_space<hbm>>
      tpu.enqueue_indirect_dma source(%dma_start3A_103 : memref<10000x128xf32, #tpu.memory_space<hbm>>) target(%arg11 : memref<96x128xf32, #tpu.memory_space<vmem>>) offsets(%dma_start3A_100 : memref<96xi32, #tpu.memory_space<vmem>>) semaphore(%arg18 : memref<!tpu.dma_semaphore, #tpu.memory_space<semaphore_mem>>)
      %dma_wait3A_104 = arith.constant 0 : i32
      %dma_wait3A_105 = arith.constant 0 : i32
      %dma_wait3A_106 = tpu.memref_slice %arg5[%add3A_71, %dma_wait3A_104, %dma_wait3A_105] : memref<3360x2x96xi32, #tpu.memory_space<hbm>> -> memref<1x2x96xi32, #tpu.memory_space<hbm>>
      %dma_wait3A_107 = tpu.memref_squeeze %dma_wait3A_106 : memref<1x2x96xi32, #tpu.memory_space<hbm>> -> memref<2x96xi32, #tpu.memory_space<hbm>>
      %dma_wait3A_108 = arith.constant 0 : i32
      %dma_wait3A_109 = arith.constant 0 : i32
      %dma_wait3A_110 = tpu.memref_slice %arg5[%add3A_71, %dma_wait3A_108, %dma_wait3A_109] : memref<3360x2x96xi32, #tpu.memory_space<hbm>> -> memref<1x2x96xi32, #tpu.memory_space<hbm>>
      %dma_wait3A_111 = tpu.memref_squeeze %dma_wait3A_110 : memref<1x2x96xi32, #tpu.memory_space<hbm>> -> memref<2x96xi32, #tpu.memory_space<hbm>>
      tpu.wait_dma2 semaphore(%arg16 : memref<!tpu.dma_semaphore, #tpu.memory_space<semaphore_mem>>) src(%dma_wait3A_111 : memref<2x96xi32, #tpu.memory_space<hbm>>) dst(%arg9 : memref<2x96xi32, #tpu.memory_space<vmem>>)
      %dma_start3A_112 = arith.constant 0 : i32
      %dma_start3A_113 = arith.constant 0 : i32
      %dma_start3A_114 = tpu.memref_slice %arg9[%dma_start3A_112, %dma_start3A_113] : memref<2x96xi32, #tpu.memory_space<vmem>> -> memref<1x96xi32, #tpu.memory_space<vmem>>
      %dma_start3A_115 = tpu.memref_squeeze %dma_start3A_114 : memref<1x96xi32, #tpu.memory_space<vmem>> -> memref<96xi32, #tpu.memory_space<vmem>>
      %dma_start3A_116 = arith.constant 0 : i32
      %dma_start3A_117 = arith.constant 0 : i32
      %dma_start3A_118 = tpu.memref_slice %arg2[%dma_start3A_116, %dma_start3A_117] : memref<10000x128xf32, #tpu.memory_space<hbm>> -> memref<10000x128xf32, #tpu.memory_space<hbm>>
      tpu.enqueue_indirect_dma source(%dma_start3A_118 : memref<10000x128xf32, #tpu.memory_space<hbm>>) target(%arg12 : memref<96x128xf32, #tpu.memory_space<vmem>>) offsets(%dma_start3A_115 : memref<96xi32, #tpu.memory_space<vmem>>) semaphore(%arg19 : memref<!tpu.dma_semaphore, #tpu.memory_space<semaphore_mem>>)
      %dma_wait3A_119 = arith.constant 0 : i32
      %dma_wait3A_120 = arith.constant 0 : i32
      %dma_wait3A_121 = tpu.memref_slice %arg5[%add3A_81, %dma_wait3A_119, %dma_wait3A_120] : memref<3360x2x96xi32, #tpu.memory_space<hbm>> -> memref<1x2x96xi32, #tpu.memory_space<hbm>>
      %dma_wait3A_122 = tpu.memref_squeeze %dma_wait3A_121 : memref<1x2x96xi32, #tpu.memory_space<hbm>> -> memref<2x96xi32, #tpu.memory_space<hbm>>
      %dma_wait3A_123 = arith.constant 0 : i32
      %dma_wait3A_124 = arith.constant 0 : i32
      %dma_wait3A_125 = tpu.memref_slice %arg5[%add3A_81, %dma_wait3A_123, %dma_wait3A_124] : memref<3360x2x96xi32, #tpu.memory_space<hbm>> -> memref<1x2x96xi32, #tpu.memory_space<hbm>>
      %dma_wait3A_126 = tpu.memref_squeeze %dma_wait3A_125 : memref<1x2x96xi32, #tpu.memory_space<hbm>> -> memref<2x96xi32, #tpu.memory_space<hbm>>
      tpu.wait_dma2 semaphore(%arg17 : memref<!tpu.dma_semaphore, #tpu.memory_space<semaphore_mem>>) src(%dma_wait3A_126 : memref<2x96xi32, #tpu.memory_space<hbm>>) dst(%arg10 : memref<2x96xi32, #tpu.memory_space<vmem>>)
      %dma_start3A_127 = arith.constant 0 : i32
      %dma_start3A_128 = arith.constant 0 : i32
      %dma_start3A_129 = tpu.memref_slice %arg10[%dma_start3A_127, %dma_start3A_128] : memref<2x96xi32, #tpu.memory_space<vmem>> -> memref<1x96xi32, #tpu.memory_space<vmem>>
      %dma_start3A_130 = tpu.memref_squeeze %dma_start3A_129 : memref<1x96xi32, #tpu.memory_space<vmem>> -> memref<96xi32, #tpu.memory_space<vmem>>
      %dma_start3A_131 = arith.constant 0 : i32
      %dma_start3A_132 = arith.constant 0 : i32
      %dma_start3A_133 = tpu.memref_slice %arg2[%dma_start3A_131, %dma_start3A_132] : memref<10000x128xf32, #tpu.memory_space<hbm>> -> memref<10000x128xf32, #tpu.memory_space<hbm>>
      tpu.enqueue_indirect_dma source(%dma_start3A_133 : memref<10000x128xf32, #tpu.memory_space<hbm>>) target(%arg13 : memref<96x128xf32, #tpu.memory_space<vmem>>) offsets(%dma_start3A_130 : memref<96xi32, #tpu.memory_space<vmem>>) semaphore(%arg20 : memref<!tpu.dma_semaphore, #tpu.memory_space<semaphore_mem>>)
      %dma_wait3A_134 = arith.constant 0 : i32
      %dma_wait3A_135 = arith.constant 0 : i32
      %dma_wait3A_136 = tpu.memref_slice %arg8[%dma_wait3A_134, %dma_wait3A_135] : memref<2x96xi32, #tpu.memory_space<vmem>> -> memref<1x96xi32, #tpu.memory_space<vmem>>
      %dma_wait3A_137 = tpu.memref_squeeze %dma_wait3A_136 : memref<1x96xi32, #tpu.memory_space<vmem>> -> memref<96xi32, #tpu.memory_space<vmem>>
      %dma_wait3A_138 = arith.constant 0 : i32
      %dma_wait3A_139 = arith.constant 0 : i32
      %dma_wait3A_140 = tpu.memref_slice %arg2[%dma_wait3A_138, %dma_wait3A_139] : memref<10000x128xf32, #tpu.memory_space<hbm>> -> memref<10000x128xf32, #tpu.memory_space<hbm>>
      tpu.wait_indirect_dma semaphore(%arg18 : memref<!tpu.dma_semaphore, #tpu.memory_space<semaphore_mem>>) src(%dma_wait3A_140 : memref<10000x128xf32, #tpu.memory_space<hbm>>) dst(%arg11 : memref<96x128xf32, #tpu.memory_space<vmem>>)
      %dma_start3A_141 = arith.constant 1 : i32
      %dma_start3A_142 = arith.constant 0 : i32
      %dma_start3A_143 = tpu.memref_slice %arg8[%dma_start3A_141, %dma_start3A_142] : memref<2x96xi32, #tpu.memory_space<vmem>> -> memref<1x96xi32, #tpu.memory_space<vmem>>
      %dma_start3A_144 = tpu.memref_squeeze %dma_start3A_143 : memref<1x96xi32, #tpu.memory_space<vmem>> -> memref<96xi32, #tpu.memory_space<vmem>>
      %dma_start3A_145 = arith.constant 0 : i32
      %dma_start3A_146 = arith.constant 0 : i32
      %dma_start3A_147 = tpu.memref_slice %arg14[%dma_start3A_145, %dma_start3A_146] : memref<10112x128xf32, #tpu.memory_space<vmem_shared>> -> memref<10112x128xf32, #tpu.memory_space<vmem_shared>>
      tpu.enqueue_indirect_dma source(%arg11 : memref<96x128xf32, #tpu.memory_space<vmem>>) target(%dma_start3A_147 : memref<10112x128xf32, #tpu.memory_space<vmem_shared>>) offsets(%dma_start3A_144 : memref<96xi32, #tpu.memory_space<vmem>>) semaphore(%arg21 : memref<!tpu.dma_semaphore, #tpu.memory_space<semaphore_mem>>) {add = true}
      %dma_wait3A_148 = arith.constant 0 : i32
      %dma_wait3A_149 = arith.constant 0 : i32
      %dma_wait3A_150 = tpu.memref_slice %arg9[%dma_wait3A_148, %dma_wait3A_149] : memref<2x96xi32, #tpu.memory_space<vmem>> -> memref<1x96xi32, #tpu.memory_space<vmem>>
      %dma_wait3A_151 = tpu.memref_squeeze %dma_wait3A_150 : memref<1x96xi32, #tpu.memory_space<vmem>> -> memref<96xi32, #tpu.memory_space<vmem>>
      %dma_wait3A_152 = arith.constant 0 : i32
      %dma_wait3A_153 = arith.constant 0 : i32
      %dma_wait3A_154 = tpu.memref_slice %arg2[%dma_wait3A_152, %dma_wait3A_153] : memref<10000x128xf32, #tpu.memory_space<hbm>> -> memref<10000x128xf32, #tpu.memory_space<hbm>>
      tpu.wait_indirect_dma semaphore(%arg19 : memref<!tpu.dma_semaphore, #tpu.memory_space<semaphore_mem>>) src(%dma_wait3A_154 : memref<10000x128xf32, #tpu.memory_space<hbm>>) dst(%arg12 : memref<96x128xf32, #tpu.memory_space<vmem>>)
      %dma_start3A_155 = arith.constant 1 : i32
      %dma_start3A_156 = arith.constant 0 : i32
      %dma_start3A_157 = tpu.memref_slice %arg9[%dma_start3A_155, %dma_start3A_156] : memref<2x96xi32, #tpu.memory_space<vmem>> -> memref<1x96xi32, #tpu.memory_space<vmem>>
      %dma_start3A_158 = tpu.memref_squeeze %dma_start3A_157 : memref<1x96xi32, #tpu.memory_space<vmem>> -> memref<96xi32, #tpu.memory_space<vmem>>
      %dma_start3A_159 = arith.constant 0 : i32
      %dma_start3A_160 = arith.constant 0 : i32
      %dma_start3A_161 = tpu.memref_slice %arg14[%dma_start3A_159, %dma_start3A_160] : memref<10112x128xf32, #tpu.memory_space<vmem_shared>> -> memref<10112x128xf32, #tpu.memory_space<vmem_shared>>
      tpu.enqueue_indirect_dma source(%arg12 : memref<96x128xf32, #tpu.memory_space<vmem>>) target(%dma_start3A_161 : memref<10112x128xf32, #tpu.memory_space<vmem_shared>>) offsets(%dma_start3A_158 : memref<96xi32, #tpu.memory_space<vmem>>) semaphore(%arg22 : memref<!tpu.dma_semaphore, #tpu.memory_space<semaphore_mem>>) {add = true}
      %dma_wait3A_162 = arith.constant 0 : i32
      %dma_wait3A_163 = arith.constant 0 : i32
      %dma_wait3A_164 = tpu.memref_slice %arg10[%dma_wait3A_162, %dma_wait3A_163] : memref<2x96xi32, #tpu.memory_space<vmem>> -> memref<1x96xi32, #tpu.memory_space<vmem>>
      %dma_wait3A_165 = tpu.memref_squeeze %dma_wait3A_164 : memref<1x96xi32, #tpu.memory_space<vmem>> -> memref<96xi32, #tpu.memory_space<vmem>>
      %dma_wait3A_166 = arith.constant 0 : i32
      %dma_wait3A_167 = arith.constant 0 : i32
      %dma_wait3A_168 = tpu.memref_slice %arg2[%dma_wait3A_166, %dma_wait3A_167] : memref<10000x128xf32, #tpu.memory_space<hbm>> -> memref<10000x128xf32, #tpu.memory_space<hbm>>
      tpu.wait_indirect_dma semaphore(%arg20 : memref<!tpu.dma_semaphore, #tpu.memory_space<semaphore_mem>>) src(%dma_wait3A_168 : memref<10000x128xf32, #tpu.memory_space<hbm>>) dst(%arg13 : memref<96x128xf32, #tpu.memory_space<vmem>>)
      %dma_start3A_169 = arith.constant 1 : i32
      %dma_start3A_170 = arith.constant 0 : i32
      %dma_start3A_171 = tpu.memref_slice %arg10[%dma_start3A_169, %dma_start3A_170] : memref<2x96xi32, #tpu.memory_space<vmem>> -> memref<1x96xi32, #tpu.memory_space<vmem>>
      %dma_start3A_172 = tpu.memref_squeeze %dma_start3A_171 : memref<1x96xi32, #tpu.memory_space<vmem>> -> memref<96xi32, #tpu.memory_space<vmem>>
      %dma_start3A_173 = arith.constant 0 : i32
      %dma_start3A_174 = arith.constant 0 : i32
      %dma_start3A_175 = tpu.memref_slice %arg14[%dma_start3A_173, %dma_start3A_174] : memref<10112x128xf32, #tpu.memory_space<vmem_shared>> -> memref<10112x128xf32, #tpu.memory_space<vmem_shared>>
      tpu.enqueue_indirect_dma source(%arg13 : memref<96x128xf32, #tpu.memory_space<vmem>>) target(%dma_start3A_175 : memref<10112x128xf32, #tpu.memory_space<vmem_shared>>) offsets(%dma_start3A_172 : memref<96xi32, #tpu.memory_space<vmem>>) semaphore(%arg23 : memref<!tpu.dma_semaphore, #tpu.memory_space<semaphore_mem>>) {add = true}
      %dma_wait3A_176 = arith.constant 1 : i32
      %dma_wait3A_177 = arith.constant 0 : i32
      %dma_wait3A_178 = tpu.memref_slice %arg8[%dma_wait3A_176, %dma_wait3A_177] : memref<2x96xi32, #tpu.memory_space<vmem>> -> memref<1x96xi32, #tpu.memory_space<vmem>>
      %dma_wait3A_179 = tpu.memref_squeeze %dma_wait3A_178 : memref<1x96xi32, #tpu.memory_space<vmem>> -> memref<96xi32, #tpu.memory_space<vmem>>
      %dma_wait3A_180 = arith.constant 0 : i32
      %dma_wait3A_181 = arith.constant 0 : i32
      %dma_wait3A_182 = tpu.memref_slice %arg14[%dma_wait3A_180, %dma_wait3A_181] : memref<10112x128xf32, #tpu.memory_space<vmem_shared>> -> memref<10112x128xf32, #tpu.memory_space<vmem_shared>>
      tpu.wait_indirect_dma semaphore(%arg21 : memref<!tpu.dma_semaphore, #tpu.memory_space<semaphore_mem>>) src(%arg11 : memref<96x128xf32, #tpu.memory_space<vmem>>) dst(%dma_wait3A_182 : memref<10112x128xf32, #tpu.memory_space<vmem_shared>>)
      %dma_wait3A_183 = arith.constant 1 : i32
      %dma_wait3A_184 = arith.constant 0 : i32
      %dma_wait3A_185 = tpu.memref_slice %arg9[%dma_wait3A_183, %dma_wait3A_184] : memref<2x96xi32, #tpu.memory_space<vmem>> -> memref<1x96xi32, #tpu.memory_space<vmem>>
      %dma_wait3A_186 = tpu.memref_squeeze %dma_wait3A_185 : memref<1x96xi32, #tpu.memory_space<vmem>> -> memref<96xi32, #tpu.memory_space<vmem>>
      %dma_wait3A_187 = arith.constant 0 : i32
      %dma_wait3A_188 = arith.constant 0 : i32
      %dma_wait3A_189 = tpu.memref_slice %arg14[%dma_wait3A_187, %dma_wait3A_188] : memref<10112x128xf32, #tpu.memory_space<vmem_shared>> -> memref<10112x128xf32, #tpu.memory_space<vmem_shared>>
      tpu.wait_indirect_dma semaphore(%arg22 : memref<!tpu.dma_semaphore, #tpu.memory_space<semaphore_mem>>) src(%arg12 : memref<96x128xf32, #tpu.memory_space<vmem>>) dst(%dma_wait3A_189 : memref<10112x128xf32, #tpu.memory_space<vmem_shared>>)
      %dma_wait3A_190 = arith.constant 1 : i32
      %dma_wait3A_191 = arith.constant 0 : i32
      %dma_wait3A_192 = tpu.memref_slice %arg10[%dma_wait3A_190, %dma_wait3A_191] : memref<2x96xi32, #tpu.memory_space<vmem>> -> memref<1x96xi32, #tpu.memory_space<vmem>>
      %dma_wait3A_193 = tpu.memref_squeeze %dma_wait3A_192 : memref<1x96xi32, #tpu.memory_space<vmem>> -> memref<96xi32, #tpu.memory_space<vmem>>
      %dma_wait3A_194 = arith.constant 0 : i32
      %dma_wait3A_195 = arith.constant 0 : i32
      %dma_wait3A_196 = tpu.memref_slice %arg14[%dma_wait3A_194, %dma_wait3A_195] : memref<10112x128xf32, #tpu.memory_space<vmem_shared>> -> memref<10112x128xf32, #tpu.memory_space<vmem_shared>>
      tpu.wait_indirect_dma semaphore(%arg23 : memref<!tpu.dma_semaphore, #tpu.memory_space<semaphore_mem>>) src(%arg13 : memref<96x128xf32, #tpu.memory_space<vmem>>) dst(%dma_wait3A_196 : memref<10112x128xf32, #tpu.memory_space<vmem_shared>>)
    }
    %scan3A_9 = arith.constant 35 : i32
    %barrier3A_10 = arith.constant 0 : index
    tpu.barrier barrier_id(%barrier3A_10)
    %eq3A = arith.constant 0 : i32
    %eq3A_11 = arith.cmpi eq, %arg0, %eq3A : i32
    %convert_element_type3A = arith.extui %eq3A_11 : i1 to i32
    %cond3A = arith.constant 0 : i32
    %cond3A_12 = arith.cmpi ne, %convert_element_type3A, %cond3A : i32
    scf.if %cond3A_12 {
      %run_scoped3A = arith.constant 0 : i32
      "tpu.region"() ({
        %run_scoped3A_57 = tpu.sem_alloc : memref<!tpu.dma_semaphore, #tpu.memory_space<semaphore_mem>>
        %dma_start3A = arith.constant 0 : i32
        %dma_start3A_58 = tpu.memref_slice %arg7[%run_scoped3A, %mul3A_0, %dma_start3A] : memref<6x10112x128xf32, #tpu.memory_space<hbm>> -> memref<1x632x128xf32, #tpu.memory_space<hbm>>
        %dma_start3A_59 = tpu.memref_squeeze %dma_start3A_58 : memref<1x632x128xf32, #tpu.memory_space<hbm>> -> memref<632x128xf32, #tpu.memory_space<hbm>>
        %dma_start3A_60 = arith.constant 0 : i32
        %dma_start3A_61 = tpu.memref_slice %arg14[%mul3A_0, %dma_start3A_60] : memref<10112x128xf32, #tpu.memory_space<vmem_shared>> -> memref<632x128xf32, #tpu.memory_space<vmem_shared>>
        tpu.enqueue_dma source(%dma_start3A_61 : memref<632x128xf32, #tpu.memory_space<vmem_shared>>) target(%dma_start3A_59 : memref<632x128xf32, #tpu.memory_space<hbm>>) target_semaphore(%run_scoped3A_57 : memref<!tpu.dma_semaphore, #tpu.memory_space<semaphore_mem>>)
        %dma_wait3A = arith.constant 0 : i32
        %dma_wait3A_62 = tpu.memref_slice %arg7[%run_scoped3A, %mul3A_0, %dma_wait3A] : memref<6x10112x128xf32, #tpu.memory_space<hbm>> -> memref<1x632x128xf32, #tpu.memory_space<hbm>>
        %dma_wait3A_63 = tpu.memref_squeeze %dma_wait3A_62 : memref<1x632x128xf32, #tpu.memory_space<hbm>> -> memref<632x128xf32, #tpu.memory_space<hbm>>
        %dma_wait3A_64 = arith.constant 0 : i32
        %dma_wait3A_65 = tpu.memref_slice %arg14[%mul3A_0, %dma_wait3A_64] : memref<10112x128xf32, #tpu.memory_space<vmem_shared>> -> memref<632x128xf32, #tpu.memory_space<vmem_shared>>
        tpu.wait_dma2 semaphore(%run_scoped3A_57 : memref<!tpu.dma_semaphore, #tpu.memory_space<semaphore_mem>>) src(%dma_wait3A_65 : memref<632x128xf32, #tpu.memory_space<vmem_shared>>) dst(%dma_wait3A_63 : memref<632x128xf32, #tpu.memory_space<hbm>>)
        tpu.yield
      }) : () -> ()
    } else {
    }
    %eq3A_13 = arith.constant 1 : i32
    %eq3A_14 = arith.cmpi eq, %arg0, %eq3A_13 : i32
    %convert_element_type3A_15 = arith.extui %eq3A_14 : i1 to i32
    %cond3A_16 = arith.constant 0 : i32
    %cond3A_17 = arith.cmpi ne, %convert_element_type3A_15, %cond3A_16 : i32
    scf.if %cond3A_17 {
      %run_scoped3A = arith.constant 1 : i32
      "tpu.region"() ({
        %run_scoped3A_57 = tpu.sem_alloc : memref<!tpu.dma_semaphore, #tpu.memory_space<semaphore_mem>>
        %dma_start3A = arith.constant 0 : i32
        %dma_start3A_58 = tpu.memref_slice %arg7[%run_scoped3A, %mul3A_0, %dma_start3A] : memref<6x10112x128xf32, #tpu.memory_space<hbm>> -> memref<1x632x128xf32, #tpu.memory_space<hbm>>
        %dma_start3A_59 = tpu.memref_squeeze %dma_start3A_58 : memref<1x632x128xf32, #tpu.memory_space<hbm>> -> memref<632x128xf32, #tpu.memory_space<hbm>>
        %dma_start3A_60 = arith.constant 0 : i32
        %dma_start3A_61 = tpu.memref_slice %arg14[%mul3A_0, %dma_start3A_60] : memref<10112x128xf32, #tpu.memory_space<vmem_shared>> -> memref<632x128xf32, #tpu.memory_space<vmem_shared>>
        tpu.enqueue_dma source(%dma_start3A_61 : memref<632x128xf32, #tpu.memory_space<vmem_shared>>) target(%dma_start3A_59 : memref<632x128xf32, #tpu.memory_space<hbm>>) target_semaphore(%run_scoped3A_57 : memref<!tpu.dma_semaphore, #tpu.memory_space<semaphore_mem>>)
        %dma_wait3A = arith.constant 0 : i32
        %dma_wait3A_62 = tpu.memref_slice %arg7[%run_scoped3A, %mul3A_0, %dma_wait3A] : memref<6x10112x128xf32, #tpu.memory_space<hbm>> -> memref<1x632x128xf32, #tpu.memory_space<hbm>>
        %dma_wait3A_63 = tpu.memref_squeeze %dma_wait3A_62 : memref<1x632x128xf32, #tpu.memory_space<hbm>> -> memref<632x128xf32, #tpu.memory_space<hbm>>
        %dma_wait3A_64 = arith.constant 0 : i32
        %dma_wait3A_65 = tpu.memref_slice %arg14[%mul3A_0, %dma_wait3A_64] : memref<10112x128xf32, #tpu.memory_space<vmem_shared>> -> memref<632x128xf32, #tpu.memory_space<vmem_shared>>
        tpu.wait_dma2 semaphore(%run_scoped3A_57 : memref<!tpu.dma_semaphore, #tpu.memory_space<semaphore_mem>>) src(%dma_wait3A_65 : memref<632x128xf32, #tpu.memory_space<vmem_shared>>) dst(%dma_wait3A_63 : memref<632x128xf32, #tpu.memory_space<hbm>>)
        tpu.yield
      }) : () -> ()
    } else {
    }
    %barrier3A_18 = arith.constant 0 : index
    tpu.barrier barrier_id(%barrier3A_18)
    "tpu.region"() ({
      %run_scoped3A = tpu.sem_alloc : memref<!tpu.dma_semaphore, #tpu.memory_space<semaphore_mem>>
      %dma_start3A = arith.constant 0 : i32
      %dma_start3A_57 = tpu.memref_slice %arg14[%mul3A_0, %dma_start3A] : memref<10112x128xf32, #tpu.memory_space<vmem_shared>> -> memref<632x128xf32, #tpu.memory_space<vmem_shared>>
      tpu.enqueue_dma source(%arg6 : memref<632x128xf32, #tpu.memory_space<hbm>>) target(%dma_start3A_57 : memref<632x128xf32, #tpu.memory_space<vmem_shared>>) target_semaphore(%run_scoped3A : memref<!tpu.dma_semaphore, #tpu.memory_space<semaphore_mem>>)
      %dma_wait3A = arith.constant 0 : i32
      %dma_wait3A_58 = tpu.memref_slice %arg14[%mul3A_0, %dma_wait3A] : memref<10112x128xf32, #tpu.memory_space<vmem_shared>> -> memref<632x128xf32, #tpu.memory_space<vmem_shared>>
      tpu.wait_dma2 semaphore(%run_scoped3A : memref<!tpu.dma_semaphore, #tpu.memory_space<semaphore_mem>>) src(%arg6 : memref<632x128xf32, #tpu.memory_space<hbm>>) dst(%dma_wait3A_58 : memref<632x128xf32, #tpu.memory_space<vmem_shared>>)
      tpu.yield
    }) : () -> ()
    %barrier3A_19 = arith.constant 0 : index
    tpu.barrier barrier_id(%barrier3A_19)
    %scan3A_20 = arith.constant 0 : i32
    %scan3A_21 = arith.constant 0 : i32
    %scan3A_22 = arith.constant 35 : i32
    %scan3A_23 = arith.addi %scan3A_21, %scan3A_22 : i32
    %scan3A_24 = arith.constant 1 : i32
    scf.for %scan3A_57 = %scan3A_21 to %scan3A_23 step %scan3A_24  : i32 {
      %mul3A_58 = arith.constant 3 : i32
      %mul3A_59 = arith.muli %scan3A_57, %mul3A_58 : i32
      %add3A_60 = arith.addi %mul3A_4, %mul3A_59 : i32
      %add3A_61 = arith.constant 0 : i32
      %add3A_62 = arith.addi %add3A_60, %add3A_61 : i32
      %dma_start3A = arith.constant 0 : i32
      %dma_start3A_63 = arith.constant 0 : i32
      %dma_start3A_64 = tpu.memref_slice %arg5[%add3A_62, %dma_start3A, %dma_start3A_63] : memref<3360x2x96xi32, #tpu.memory_space<hbm>> -> memref<1x2x96xi32, #tpu.memory_space<hbm>>
      %dma_start3A_65 = tpu.memref_squeeze %dma_start3A_64 : memref<1x2x96xi32, #tpu.memory_space<hbm>> -> memref<2x96xi32, #tpu.memory_space<hbm>>
      %dma_start3A_66 = arith.constant 0 : i32
      %dma_start3A_67 = arith.constant 0 : i32
      %dma_start3A_68 = tpu.memref_slice %arg5[%add3A_62, %dma_start3A_66, %dma_start3A_67] : memref<3360x2x96xi32, #tpu.memory_space<hbm>> -> memref<1x2x96xi32, #tpu.memory_space<hbm>>
      %dma_start3A_69 = tpu.memref_squeeze %dma_start3A_68 : memref<1x2x96xi32, #tpu.memory_space<hbm>> -> memref<2x96xi32, #tpu.memory_space<hbm>>
      tpu.enqueue_dma source(%dma_start3A_69 : memref<2x96xi32, #tpu.memory_space<hbm>>) target(%arg8 : memref<2x96xi32, #tpu.memory_space<vmem>>) target_semaphore(%arg15 : memref<!tpu.dma_semaphore, #tpu.memory_space<semaphore_mem>>)
      %add3A_70 = arith.constant 1 : i32
      %add3A_71 = arith.addi %add3A_60, %add3A_70 : i32
      %dma_start3A_72 = arith.constant 0 : i32
      %dma_start3A_73 = arith.constant 0 : i32
      %dma_start3A_74 = tpu.memref_slice %arg5[%add3A_71, %dma_start3A_72, %dma_start3A_73] : memref<3360x2x96xi32, #tpu.memory_space<hbm>> -> memref<1x2x96xi32, #tpu.memory_space<hbm>>
      %dma_start3A_75 = tpu.memref_squeeze %dma_start3A_74 : memref<1x2x96xi32, #tpu.memory_space<hbm>> -> memref<2x96xi32, #tpu.memory_space<hbm>>
      %dma_start3A_76 = arith.constant 0 : i32
      %dma_start3A_77 = arith.constant 0 : i32
      %dma_start3A_78 = tpu.memref_slice %arg5[%add3A_71, %dma_start3A_76, %dma_start3A_77] : memref<3360x2x96xi32, #tpu.memory_space<hbm>> -> memref<1x2x96xi32, #tpu.memory_space<hbm>>
      %dma_start3A_79 = tpu.memref_squeeze %dma_start3A_78 : memref<1x2x96xi32, #tpu.memory_space<hbm>> -> memref<2x96xi32, #tpu.memory_space<hbm>>
      tpu.enqueue_dma source(%dma_start3A_79 : memref<2x96xi32, #tpu.memory_space<hbm>>) target(%arg9 : memref<2x96xi32, #tpu.memory_space<vmem>>) target_semaphore(%arg16 : memref<!tpu.dma_semaphore, #tpu.memory_space<semaphore_mem>>)
      %add3A_80 = arith.constant 2 : i32
      %add3A_81 = arith.addi %add3A_60, %add3A_80 : i32
      %dma_start3A_82 = arith.constant 0 : i32
      %dma_start3A_83 = arith.constant 0 : i32
      %dma_start3A_84 = tpu.memref_slice %arg5[%add3A_81, %dma_start3A_82, %dma_start3A_83] : memref<3360x2x96xi32, #tpu.memory_space<hbm>> -> memref<1x2x96xi32, #tpu.memory_space<hbm>>
      %dma_start3A_85 = tpu.memref_squeeze %dma_start3A_84 : memref<1x2x96xi32, #tpu.memory_space<hbm>> -> memref<2x96xi32, #tpu.memory_space<hbm>>
      %dma_start3A_86 = arith.constant 0 : i32
      %dma_start3A_87 = arith.constant 0 : i32
      %dma_start3A_88 = tpu.memref_slice %arg5[%add3A_81, %dma_start3A_86, %dma_start3A_87] : memref<3360x2x96xi32, #tpu.memory_space<hbm>> -> memref<1x2x96xi32, #tpu.memory_space<hbm>>
      %dma_start3A_89 = tpu.memref_squeeze %dma_start3A_88 : memref<1x2x96xi32, #tpu.memory_space<hbm>> -> memref<2x96xi32, #tpu.memory_space<hbm>>
      tpu.enqueue_dma source(%dma_start3A_89 : memref<2x96xi32, #tpu.memory_space<hbm>>) target(%arg10 : memref<2x96xi32, #tpu.memory_space<vmem>>) target_semaphore(%arg17 : memref<!tpu.dma_semaphore, #tpu.memory_space<semaphore_mem>>)
      %dma_wait3A = arith.constant 0 : i32
      %dma_wait3A_90 = arith.constant 0 : i32
      %dma_wait3A_91 = tpu.memref_slice %arg5[%add3A_62, %dma_wait3A, %dma_wait3A_90] : memref<3360x2x96xi32, #tpu.memory_space<hbm>> -> memref<1x2x96xi32, #tpu.memory_space<hbm>>
      %dma_wait3A_92 = tpu.memref_squeeze %dma_wait3A_91 : memref<1x2x96xi32, #tpu.memory_space<hbm>> -> memref<2x96xi32, #tpu.memory_space<hbm>>
      %dma_wait3A_93 = arith.constant 0 : i32
      %dma_wait3A_94 = arith.constant 0 : i32
      %dma_wait3A_95 = tpu.memref_slice %arg5[%add3A_62, %dma_wait3A_93, %dma_wait3A_94] : memref<3360x2x96xi32, #tpu.memory_space<hbm>> -> memref<1x2x96xi32, #tpu.memory_space<hbm>>
      %dma_wait3A_96 = tpu.memref_squeeze %dma_wait3A_95 : memref<1x2x96xi32, #tpu.memory_space<hbm>> -> memref<2x96xi32, #tpu.memory_space<hbm>>
      tpu.wait_dma2 semaphore(%arg15 : memref<!tpu.dma_semaphore, #tpu.memory_space<semaphore_mem>>) src(%dma_wait3A_96 : memref<2x96xi32, #tpu.memory_space<hbm>>) dst(%arg8 : memref<2x96xi32, #tpu.memory_space<vmem>>)
      %dma_start3A_97 = arith.constant 0 : i32
      %dma_start3A_98 = arith.constant 0 : i32
      %dma_start3A_99 = tpu.memref_slice %arg8[%dma_start3A_97, %dma_start3A_98] : memref<2x96xi32, #tpu.memory_space<vmem>> -> memref<1x96xi32, #tpu.memory_space<vmem>>
      %dma_start3A_100 = tpu.memref_squeeze %dma_start3A_99 : memref<1x96xi32, #tpu.memory_space<vmem>> -> memref<96xi32, #tpu.memory_space<vmem>>
      %dma_start3A_101 = arith.constant 0 : i32
      %dma_start3A_102 = arith.constant 0 : i32
      %dma_start3A_103 = tpu.memref_slice %arg3[%dma_start3A_101, %dma_start3A_102] : memref<10000x128xf32, #tpu.memory_space<hbm>> -> memref<10000x128xf32, #tpu.memory_space<hbm>>
      tpu.enqueue_indirect_dma source(%dma_start3A_103 : memref<10000x128xf32, #tpu.memory_space<hbm>>) target(%arg11 : memref<96x128xf32, #tpu.memory_space<vmem>>) offsets(%dma_start3A_100 : memref<96xi32, #tpu.memory_space<vmem>>) semaphore(%arg18 : memref<!tpu.dma_semaphore, #tpu.memory_space<semaphore_mem>>)
      %dma_wait3A_104 = arith.constant 0 : i32
      %dma_wait3A_105 = arith.constant 0 : i32
      %dma_wait3A_106 = tpu.memref_slice %arg5[%add3A_71, %dma_wait3A_104, %dma_wait3A_105] : memref<3360x2x96xi32, #tpu.memory_space<hbm>> -> memref<1x2x96xi32, #tpu.memory_space<hbm>>
      %dma_wait3A_107 = tpu.memref_squeeze %dma_wait3A_106 : memref<1x2x96xi32, #tpu.memory_space<hbm>> -> memref<2x96xi32, #tpu.memory_space<hbm>>
      %dma_wait3A_108 = arith.constant 0 : i32
      %dma_wait3A_109 = arith.constant 0 : i32
      %dma_wait3A_110 = tpu.memref_slice %arg5[%add3A_71, %dma_wait3A_108, %dma_wait3A_109] : memref<3360x2x96xi32, #tpu.memory_space<hbm>> -> memref<1x2x96xi32, #tpu.memory_space<hbm>>
      %dma_wait3A_111 = tpu.memref_squeeze %dma_wait3A_110 : memref<1x2x96xi32, #tpu.memory_space<hbm>> -> memref<2x96xi32, #tpu.memory_space<hbm>>
      tpu.wait_dma2 semaphore(%arg16 : memref<!tpu.dma_semaphore, #tpu.memory_space<semaphore_mem>>) src(%dma_wait3A_111 : memref<2x96xi32, #tpu.memory_space<hbm>>) dst(%arg9 : memref<2x96xi32, #tpu.memory_space<vmem>>)
      %dma_start3A_112 = arith.constant 0 : i32
      %dma_start3A_113 = arith.constant 0 : i32
      %dma_start3A_114 = tpu.memref_slice %arg9[%dma_start3A_112, %dma_start3A_113] : memref<2x96xi32, #tpu.memory_space<vmem>> -> memref<1x96xi32, #tpu.memory_space<vmem>>
      %dma_start3A_115 = tpu.memref_squeeze %dma_start3A_114 : memref<1x96xi32, #tpu.memory_space<vmem>> -> memref<96xi32, #tpu.memory_space<vmem>>
      %dma_start3A_116 = arith.constant 0 : i32
      %dma_start3A_117 = arith.constant 0 : i32
      %dma_start3A_118 = tpu.memref_slice %arg3[%dma_start3A_116, %dma_start3A_117] : memref<10000x128xf32, #tpu.memory_space<hbm>> -> memref<10000x128xf32, #tpu.memory_space<hbm>>
      tpu.enqueue_indirect_dma source(%dma_start3A_118 : memref<10000x128xf32, #tpu.memory_space<hbm>>) target(%arg12 : memref<96x128xf32, #tpu.memory_space<vmem>>) offsets(%dma_start3A_115 : memref<96xi32, #tpu.memory_space<vmem>>) semaphore(%arg19 : memref<!tpu.dma_semaphore, #tpu.memory_space<semaphore_mem>>)
      %dma_wait3A_119 = arith.constant 0 : i32
      %dma_wait3A_120 = arith.constant 0 : i32
      %dma_wait3A_121 = tpu.memref_slice %arg5[%add3A_81, %dma_wait3A_119, %dma_wait3A_120] : memref<3360x2x96xi32, #tpu.memory_space<hbm>> -> memref<1x2x96xi32, #tpu.memory_space<hbm>>
      %dma_wait3A_122 = tpu.memref_squeeze %dma_wait3A_121 : memref<1x2x96xi32, #tpu.memory_space<hbm>> -> memref<2x96xi32, #tpu.memory_space<hbm>>
      %dma_wait3A_123 = arith.constant 0 : i32
      %dma_wait3A_124 = arith.constant 0 : i32
      %dma_wait3A_125 = tpu.memref_slice %arg5[%add3A_81, %dma_wait3A_123, %dma_wait3A_124] : memref<3360x2x96xi32, #tpu.memory_space<hbm>> -> memref<1x2x96xi32, #tpu.memory_space<hbm>>
      %dma_wait3A_126 = tpu.memref_squeeze %dma_wait3A_125 : memref<1x2x96xi32, #tpu.memory_space<hbm>> -> memref<2x96xi32, #tpu.memory_space<hbm>>
      tpu.wait_dma2 semaphore(%arg17 : memref<!tpu.dma_semaphore, #tpu.memory_space<semaphore_mem>>) src(%dma_wait3A_126 : memref<2x96xi32, #tpu.memory_space<hbm>>) dst(%arg10 : memref<2x96xi32, #tpu.memory_space<vmem>>)
      %dma_start3A_127 = arith.constant 0 : i32
      %dma_start3A_128 = arith.constant 0 : i32
      %dma_start3A_129 = tpu.memref_slice %arg10[%dma_start3A_127, %dma_start3A_128] : memref<2x96xi32, #tpu.memory_space<vmem>> -> memref<1x96xi32, #tpu.memory_space<vmem>>
      %dma_start3A_130 = tpu.memref_squeeze %dma_start3A_129 : memref<1x96xi32, #tpu.memory_space<vmem>> -> memref<96xi32, #tpu.memory_space<vmem>>
      %dma_start3A_131 = arith.constant 0 : i32
      %dma_start3A_132 = arith.constant 0 : i32
      %dma_start3A_133 = tpu.memref_slice %arg3[%dma_start3A_131, %dma_start3A_132] : memref<10000x128xf32, #tpu.memory_space<hbm>> -> memref<10000x128xf32, #tpu.memory_space<hbm>>
      tpu.enqueue_indirect_dma source(%dma_start3A_133 : memref<10000x128xf32, #tpu.memory_space<hbm>>) target(%arg13 : memref<96x128xf32, #tpu.memory_space<vmem>>) offsets(%dma_start3A_130 : memref<96xi32, #tpu.memory_space<vmem>>) semaphore(%arg20 : memref<!tpu.dma_semaphore, #tpu.memory_space<semaphore_mem>>)
      %dma_wait3A_134 = arith.constant 0 : i32
      %dma_wait3A_135 = arith.constant 0 : i32
      %dma_wait3A_136 = tpu.memref_slice %arg8[%dma_wait3A_134, %dma_wait3A_135] : memref<2x96xi32, #tpu.memory_space<vmem>> -> memref<1x96xi32, #tpu.memory_space<vmem>>
      %dma_wait3A_137 = tpu.memref_squeeze %dma_wait3A_136 : memref<1x96xi32, #tpu.memory_space<vmem>> -> memref<96xi32, #tpu.memory_space<vmem>>
      %dma_wait3A_138 = arith.constant 0 : i32
      %dma_wait3A_139 = arith.constant 0 : i32
      %dma_wait3A_140 = tpu.memref_slice %arg3[%dma_wait3A_138, %dma_wait3A_139] : memref<10000x128xf32, #tpu.memory_space<hbm>> -> memref<10000x128xf32, #tpu.memory_space<hbm>>
      tpu.wait_indirect_dma semaphore(%arg18 : memref<!tpu.dma_semaphore, #tpu.memory_space<semaphore_mem>>) src(%dma_wait3A_140 : memref<10000x128xf32, #tpu.memory_space<hbm>>) dst(%arg11 : memref<96x128xf32, #tpu.memory_space<vmem>>)
      %dma_start3A_141 = arith.constant 1 : i32
      %dma_start3A_142 = arith.constant 0 : i32
      %dma_start3A_143 = tpu.memref_slice %arg8[%dma_start3A_141, %dma_start3A_142] : memref<2x96xi32, #tpu.memory_space<vmem>> -> memref<1x96xi32, #tpu.memory_space<vmem>>
      %dma_start3A_144 = tpu.memref_squeeze %dma_start3A_143 : memref<1x96xi32, #tpu.memory_space<vmem>> -> memref<96xi32, #tpu.memory_space<vmem>>
      %dma_start3A_145 = arith.constant 0 : i32
      %dma_start3A_146 = arith.constant 0 : i32
      %dma_start3A_147 = tpu.memref_slice %arg14[%dma_start3A_145, %dma_start3A_146] : memref<10112x128xf32, #tpu.memory_space<vmem_shared>> -> memref<10112x128xf32, #tpu.memory_space<vmem_shared>>
      tpu.enqueue_indirect_dma source(%arg11 : memref<96x128xf32, #tpu.memory_space<vmem>>) target(%dma_start3A_147 : memref<10112x128xf32, #tpu.memory_space<vmem_shared>>) offsets(%dma_start3A_144 : memref<96xi32, #tpu.memory_space<vmem>>) semaphore(%arg21 : memref<!tpu.dma_semaphore, #tpu.memory_space<semaphore_mem>>) {add = true}
      %dma_wait3A_148 = arith.constant 0 : i32
      %dma_wait3A_149 = arith.constant 0 : i32
      %dma_wait3A_150 = tpu.memref_slice %arg9[%dma_wait3A_148, %dma_wait3A_149] : memref<2x96xi32, #tpu.memory_space<vmem>> -> memref<1x96xi32, #tpu.memory_space<vmem>>
      %dma_wait3A_151 = tpu.memref_squeeze %dma_wait3A_150 : memref<1x96xi32, #tpu.memory_space<vmem>> -> memref<96xi32, #tpu.memory_space<vmem>>
      %dma_wait3A_152 = arith.constant 0 : i32
      %dma_wait3A_153 = arith.constant 0 : i32
      %dma_wait3A_154 = tpu.memref_slice %arg3[%dma_wait3A_152, %dma_wait3A_153] : memref<10000x128xf32, #tpu.memory_space<hbm>> -> memref<10000x128xf32, #tpu.memory_space<hbm>>
      tpu.wait_indirect_dma semaphore(%arg19 : memref<!tpu.dma_semaphore, #tpu.memory_space<semaphore_mem>>) src(%dma_wait3A_154 : memref<10000x128xf32, #tpu.memory_space<hbm>>) dst(%arg12 : memref<96x128xf32, #tpu.memory_space<vmem>>)
      %dma_start3A_155 = arith.constant 1 : i32
      %dma_start3A_156 = arith.constant 0 : i32
      %dma_start3A_157 = tpu.memref_slice %arg9[%dma_start3A_155, %dma_start3A_156] : memref<2x96xi32, #tpu.memory_space<vmem>> -> memref<1x96xi32, #tpu.memory_space<vmem>>
      %dma_start3A_158 = tpu.memref_squeeze %dma_start3A_157 : memref<1x96xi32, #tpu.memory_space<vmem>> -> memref<96xi32, #tpu.memory_space<vmem>>
      %dma_start3A_159 = arith.constant 0 : i32
      %dma_start3A_160 = arith.constant 0 : i32
      %dma_start3A_161 = tpu.memref_slice %arg14[%dma_start3A_159, %dma_start3A_160] : memref<10112x128xf32, #tpu.memory_space<vmem_shared>> -> memref<10112x128xf32, #tpu.memory_space<vmem_shared>>
      tpu.enqueue_indirect_dma source(%arg12 : memref<96x128xf32, #tpu.memory_space<vmem>>) target(%dma_start3A_161 : memref<10112x128xf32, #tpu.memory_space<vmem_shared>>) offsets(%dma_start3A_158 : memref<96xi32, #tpu.memory_space<vmem>>) semaphore(%arg22 : memref<!tpu.dma_semaphore, #tpu.memory_space<semaphore_mem>>) {add = true}
      %dma_wait3A_162 = arith.constant 0 : i32
      %dma_wait3A_163 = arith.constant 0 : i32
      %dma_wait3A_164 = tpu.memref_slice %arg10[%dma_wait3A_162, %dma_wait3A_163] : memref<2x96xi32, #tpu.memory_space<vmem>> -> memref<1x96xi32, #tpu.memory_space<vmem>>
      %dma_wait3A_165 = tpu.memref_squeeze %dma_wait3A_164 : memref<1x96xi32, #tpu.memory_space<vmem>> -> memref<96xi32, #tpu.memory_space<vmem>>
      %dma_wait3A_166 = arith.constant 0 : i32
      %dma_wait3A_167 = arith.constant 0 : i32
      %dma_wait3A_168 = tpu.memref_slice %arg3[%dma_wait3A_166, %dma_wait3A_167] : memref<10000x128xf32, #tpu.memory_space<hbm>> -> memref<10000x128xf32, #tpu.memory_space<hbm>>
      tpu.wait_indirect_dma semaphore(%arg20 : memref<!tpu.dma_semaphore, #tpu.memory_space<semaphore_mem>>) src(%dma_wait3A_168 : memref<10000x128xf32, #tpu.memory_space<hbm>>) dst(%arg13 : memref<96x128xf32, #tpu.memory_space<vmem>>)
      %dma_start3A_169 = arith.constant 1 : i32
      %dma_start3A_170 = arith.constant 0 : i32
      %dma_start3A_171 = tpu.memref_slice %arg10[%dma_start3A_169, %dma_start3A_170] : memref<2x96xi32, #tpu.memory_space<vmem>> -> memref<1x96xi32, #tpu.memory_space<vmem>>
      %dma_start3A_172 = tpu.memref_squeeze %dma_start3A_171 : memref<1x96xi32, #tpu.memory_space<vmem>> -> memref<96xi32, #tpu.memory_space<vmem>>
      %dma_start3A_173 = arith.constant 0 : i32
      %dma_start3A_174 = arith.constant 0 : i32
      %dma_start3A_175 = tpu.memref_slice %arg14[%dma_start3A_173, %dma_start3A_174] : memref<10112x128xf32, #tpu.memory_space<vmem_shared>> -> memref<10112x128xf32, #tpu.memory_space<vmem_shared>>
      tpu.enqueue_indirect_dma source(%arg13 : memref<96x128xf32, #tpu.memory_space<vmem>>) target(%dma_start3A_175 : memref<10112x128xf32, #tpu.memory_space<vmem_shared>>) offsets(%dma_start3A_172 : memref<96xi32, #tpu.memory_space<vmem>>) semaphore(%arg23 : memref<!tpu.dma_semaphore, #tpu.memory_space<semaphore_mem>>) {add = true}
      %dma_wait3A_176 = arith.constant 1 : i32
      %dma_wait3A_177 = arith.constant 0 : i32
      %dma_wait3A_178 = tpu.memref_slice %arg8[%dma_wait3A_176, %dma_wait3A_177] : memref<2x96xi32, #tpu.memory_space<vmem>> -> memref<1x96xi32, #tpu.memory_space<vmem>>
      %dma_wait3A_179 = tpu.memref_squeeze %dma_wait3A_178 : memref<1x96xi32, #tpu.memory_space<vmem>> -> memref<96xi32, #tpu.memory_space<vmem>>
      %dma_wait3A_180 = arith.constant 0 : i32
      %dma_wait3A_181 = arith.constant 0 : i32
      %dma_wait3A_182 = tpu.memref_slice %arg14[%dma_wait3A_180, %dma_wait3A_181] : memref<10112x128xf32, #tpu.memory_space<vmem_shared>> -> memref<10112x128xf32, #tpu.memory_space<vmem_shared>>
      tpu.wait_indirect_dma semaphore(%arg21 : memref<!tpu.dma_semaphore, #tpu.memory_space<semaphore_mem>>) src(%arg11 : memref<96x128xf32, #tpu.memory_space<vmem>>) dst(%dma_wait3A_182 : memref<10112x128xf32, #tpu.memory_space<vmem_shared>>)
      %dma_wait3A_183 = arith.constant 1 : i32
      %dma_wait3A_184 = arith.constant 0 : i32
      %dma_wait3A_185 = tpu.memref_slice %arg9[%dma_wait3A_183, %dma_wait3A_184] : memref<2x96xi32, #tpu.memory_space<vmem>> -> memref<1x96xi32, #tpu.memory_space<vmem>>
      %dma_wait3A_186 = tpu.memref_squeeze %dma_wait3A_185 : memref<1x96xi32, #tpu.memory_space<vmem>> -> memref<96xi32, #tpu.memory_space<vmem>>
      %dma_wait3A_187 = arith.constant 0 : i32
      %dma_wait3A_188 = arith.constant 0 : i32
      %dma_wait3A_189 = tpu.memref_slice %arg14[%dma_wait3A_187, %dma_wait3A_188] : memref<10112x128xf32, #tpu.memory_space<vmem_shared>> -> memref<10112x128xf32, #tpu.memory_space<vmem_shared>>
      tpu.wait_indirect_dma semaphore(%arg22 : memref<!tpu.dma_semaphore, #tpu.memory_space<semaphore_mem>>) src(%arg12 : memref<96x128xf32, #tpu.memory_space<vmem>>) dst(%dma_wait3A_189 : memref<10112x128xf32, #tpu.memory_space<vmem_shared>>)
      %dma_wait3A_190 = arith.constant 1 : i32
      %dma_wait3A_191 = arith.constant 0 : i32
      %dma_wait3A_192 = tpu.memref_slice %arg10[%dma_wait3A_190, %dma_wait3A_191] : memref<2x96xi32, #tpu.memory_space<vmem>> -> memref<1x96xi32, #tpu.memory_space<vmem>>
      %dma_wait3A_193 = tpu.memref_squeeze %dma_wait3A_192 : memref<1x96xi32, #tpu.memory_space<vmem>> -> memref<96xi32, #tpu.memory_space<vmem>>
      %dma_wait3A_194 = arith.constant 0 : i32
      %dma_wait3A_195 = arith.constant 0 : i32
      %dma_wait3A_196 = tpu.memref_slice %arg14[%dma_wait3A_194, %dma_wait3A_195] : memref<10112x128xf32, #tpu.memory_space<vmem_shared>> -> memref<10112x128xf32, #tpu.memory_space<vmem_shared>>
      tpu.wait_indirect_dma semaphore(%arg23 : memref<!tpu.dma_semaphore, #tpu.memory_space<semaphore_mem>>) src(%arg13 : memref<96x128xf32, #tpu.memory_space<vmem>>) dst(%dma_wait3A_196 : memref<10112x128xf32, #tpu.memory_space<vmem_shared>>)
    }
    %scan3A_25 = arith.constant 35 : i32
    %barrier3A_26 = arith.constant 0 : index
    tpu.barrier barrier_id(%barrier3A_26)
    %eq3A_27 = arith.constant 0 : i32
    %eq3A_28 = arith.cmpi eq, %arg0, %eq3A_27 : i32
    %convert_element_type3A_29 = arith.extui %eq3A_28 : i1 to i32
    %cond3A_30 = arith.constant 0 : i32
    %cond3A_31 = arith.cmpi ne, %convert_element_type3A_29, %cond3A_30 : i32
    scf.if %cond3A_31 {
      %run_scoped3A = arith.constant 2 : i32
      "tpu.region"() ({
        %run_scoped3A_57 = tpu.sem_alloc : memref<!tpu.dma_semaphore, #tpu.memory_space<semaphore_mem>>
        %dma_start3A = arith.constant 0 : i32
        %dma_start3A_58 = tpu.memref_slice %arg7[%run_scoped3A, %mul3A_0, %dma_start3A] : memref<6x10112x128xf32, #tpu.memory_space<hbm>> -> memref<1x632x128xf32, #tpu.memory_space<hbm>>
        %dma_start3A_59 = tpu.memref_squeeze %dma_start3A_58 : memref<1x632x128xf32, #tpu.memory_space<hbm>> -> memref<632x128xf32, #tpu.memory_space<hbm>>
        %dma_start3A_60 = arith.constant 0 : i32
        %dma_start3A_61 = tpu.memref_slice %arg14[%mul3A_0, %dma_start3A_60] : memref<10112x128xf32, #tpu.memory_space<vmem_shared>> -> memref<632x128xf32, #tpu.memory_space<vmem_shared>>
        tpu.enqueue_dma source(%dma_start3A_61 : memref<632x128xf32, #tpu.memory_space<vmem_shared>>) target(%dma_start3A_59 : memref<632x128xf32, #tpu.memory_space<hbm>>) target_semaphore(%run_scoped3A_57 : memref<!tpu.dma_semaphore, #tpu.memory_space<semaphore_mem>>)
        %dma_wait3A = arith.constant 0 : i32
        %dma_wait3A_62 = tpu.memref_slice %arg7[%run_scoped3A, %mul3A_0, %dma_wait3A] : memref<6x10112x128xf32, #tpu.memory_space<hbm>> -> memref<1x632x128xf32, #tpu.memory_space<hbm>>
        %dma_wait3A_63 = tpu.memref_squeeze %dma_wait3A_62 : memref<1x632x128xf32, #tpu.memory_space<hbm>> -> memref<632x128xf32, #tpu.memory_space<hbm>>
        %dma_wait3A_64 = arith.constant 0 : i32
        %dma_wait3A_65 = tpu.memref_slice %arg14[%mul3A_0, %dma_wait3A_64] : memref<10112x128xf32, #tpu.memory_space<vmem_shared>> -> memref<632x128xf32, #tpu.memory_space<vmem_shared>>
        tpu.wait_dma2 semaphore(%run_scoped3A_57 : memref<!tpu.dma_semaphore, #tpu.memory_space<semaphore_mem>>) src(%dma_wait3A_65 : memref<632x128xf32, #tpu.memory_space<vmem_shared>>) dst(%dma_wait3A_63 : memref<632x128xf32, #tpu.memory_space<hbm>>)
        tpu.yield
      }) : () -> ()
    } else {
    }
    %eq3A_32 = arith.constant 1 : i32
    %eq3A_33 = arith.cmpi eq, %arg0, %eq3A_32 : i32
    %convert_element_type3A_34 = arith.extui %eq3A_33 : i1 to i32
    %cond3A_35 = arith.constant 0 : i32
    %cond3A_36 = arith.cmpi ne, %convert_element_type3A_34, %cond3A_35 : i32
    scf.if %cond3A_36 {
      %run_scoped3A = arith.constant 3 : i32
      "tpu.region"() ({
        %run_scoped3A_57 = tpu.sem_alloc : memref<!tpu.dma_semaphore, #tpu.memory_space<semaphore_mem>>
        %dma_start3A = arith.constant 0 : i32
        %dma_start3A_58 = tpu.memref_slice %arg7[%run_scoped3A, %mul3A_0, %dma_start3A] : memref<6x10112x128xf32, #tpu.memory_space<hbm>> -> memref<1x632x128xf32, #tpu.memory_space<hbm>>
        %dma_start3A_59 = tpu.memref_squeeze %dma_start3A_58 : memref<1x632x128xf32, #tpu.memory_space<hbm>> -> memref<632x128xf32, #tpu.memory_space<hbm>>
        %dma_start3A_60 = arith.constant 0 : i32
        %dma_start3A_61 = tpu.memref_slice %arg14[%mul3A_0, %dma_start3A_60] : memref<10112x128xf32, #tpu.memory_space<vmem_shared>> -> memref<632x128xf32, #tpu.memory_space<vmem_shared>>
        tpu.enqueue_dma source(%dma_start3A_61 : memref<632x128xf32, #tpu.memory_space<vmem_shared>>) target(%dma_start3A_59 : memref<632x128xf32, #tpu.memory_space<hbm>>) target_semaphore(%run_scoped3A_57 : memref<!tpu.dma_semaphore, #tpu.memory_space<semaphore_mem>>)
        %dma_wait3A = arith.constant 0 : i32
        %dma_wait3A_62 = tpu.memref_slice %arg7[%run_scoped3A, %mul3A_0, %dma_wait3A] : memref<6x10112x128xf32, #tpu.memory_space<hbm>> -> memref<1x632x128xf32, #tpu.memory_space<hbm>>
        %dma_wait3A_63 = tpu.memref_squeeze %dma_wait3A_62 : memref<1x632x128xf32, #tpu.memory_space<hbm>> -> memref<632x128xf32, #tpu.memory_space<hbm>>
        %dma_wait3A_64 = arith.constant 0 : i32
        %dma_wait3A_65 = tpu.memref_slice %arg14[%mul3A_0, %dma_wait3A_64] : memref<10112x128xf32, #tpu.memory_space<vmem_shared>> -> memref<632x128xf32, #tpu.memory_space<vmem_shared>>
        tpu.wait_dma2 semaphore(%run_scoped3A_57 : memref<!tpu.dma_semaphore, #tpu.memory_space<semaphore_mem>>) src(%dma_wait3A_65 : memref<632x128xf32, #tpu.memory_space<vmem_shared>>) dst(%dma_wait3A_63 : memref<632x128xf32, #tpu.memory_space<hbm>>)
        tpu.yield
      }) : () -> ()
    } else {
    }
    %barrier3A_37 = arith.constant 0 : index
    tpu.barrier barrier_id(%barrier3A_37)
    "tpu.region"() ({
      %run_scoped3A = tpu.sem_alloc : memref<!tpu.dma_semaphore, #tpu.memory_space<semaphore_mem>>
      %dma_start3A = arith.constant 0 : i32
      %dma_start3A_57 = tpu.memref_slice %arg14[%mul3A_0, %dma_start3A] : memref<10112x128xf32, #tpu.memory_space<vmem_shared>> -> memref<632x128xf32, #tpu.memory_space<vmem_shared>>
      tpu.enqueue_dma source(%arg6 : memref<632x128xf32, #tpu.memory_space<hbm>>) target(%dma_start3A_57 : memref<632x128xf32, #tpu.memory_space<vmem_shared>>) target_semaphore(%run_scoped3A : memref<!tpu.dma_semaphore, #tpu.memory_space<semaphore_mem>>)
      %dma_wait3A = arith.constant 0 : i32
      %dma_wait3A_58 = tpu.memref_slice %arg14[%mul3A_0, %dma_wait3A] : memref<10112x128xf32, #tpu.memory_space<vmem_shared>> -> memref<632x128xf32, #tpu.memory_space<vmem_shared>>
      tpu.wait_dma2 semaphore(%run_scoped3A : memref<!tpu.dma_semaphore, #tpu.memory_space<semaphore_mem>>) src(%arg6 : memref<632x128xf32, #tpu.memory_space<hbm>>) dst(%dma_wait3A_58 : memref<632x128xf32, #tpu.memory_space<vmem_shared>>)
      tpu.yield
    }) : () -> ()
    %barrier3A_38 = arith.constant 0 : index
    tpu.barrier barrier_id(%barrier3A_38)
    %scan3A_39 = arith.constant 0 : i32
    %scan3A_40 = arith.constant 0 : i32
    %scan3A_41 = arith.constant 35 : i32
    %scan3A_42 = arith.addi %scan3A_40, %scan3A_41 : i32
    %scan3A_43 = arith.constant 1 : i32
    scf.for %scan3A_57 = %scan3A_40 to %scan3A_42 step %scan3A_43  : i32 {
      %mul3A_58 = arith.constant 3 : i32
      %mul3A_59 = arith.muli %scan3A_57, %mul3A_58 : i32
      %add3A_60 = arith.addi %mul3A_4, %mul3A_59 : i32
      %add3A_61 = arith.constant 0 : i32
      %add3A_62 = arith.addi %add3A_60, %add3A_61 : i32
      %dma_start3A = arith.constant 0 : i32
      %dma_start3A_63 = arith.constant 0 : i32
      %dma_start3A_64 = tpu.memref_slice %arg5[%add3A_62, %dma_start3A, %dma_start3A_63] : memref<3360x2x96xi32, #tpu.memory_space<hbm>> -> memref<1x2x96xi32, #tpu.memory_space<hbm>>
      %dma_start3A_65 = tpu.memref_squeeze %dma_start3A_64 : memref<1x2x96xi32, #tpu.memory_space<hbm>> -> memref<2x96xi32, #tpu.memory_space<hbm>>
      %dma_start3A_66 = arith.constant 0 : i32
      %dma_start3A_67 = arith.constant 0 : i32
      %dma_start3A_68 = tpu.memref_slice %arg5[%add3A_62, %dma_start3A_66, %dma_start3A_67] : memref<3360x2x96xi32, #tpu.memory_space<hbm>> -> memref<1x2x96xi32, #tpu.memory_space<hbm>>
      %dma_start3A_69 = tpu.memref_squeeze %dma_start3A_68 : memref<1x2x96xi32, #tpu.memory_space<hbm>> -> memref<2x96xi32, #tpu.memory_space<hbm>>
      tpu.enqueue_dma source(%dma_start3A_69 : memref<2x96xi32, #tpu.memory_space<hbm>>) target(%arg8 : memref<2x96xi32, #tpu.memory_space<vmem>>) target_semaphore(%arg15 : memref<!tpu.dma_semaphore, #tpu.memory_space<semaphore_mem>>)
      %add3A_70 = arith.constant 1 : i32
      %add3A_71 = arith.addi %add3A_60, %add3A_70 : i32
      %dma_start3A_72 = arith.constant 0 : i32
      %dma_start3A_73 = arith.constant 0 : i32
      %dma_start3A_74 = tpu.memref_slice %arg5[%add3A_71, %dma_start3A_72, %dma_start3A_73] : memref<3360x2x96xi32, #tpu.memory_space<hbm>> -> memref<1x2x96xi32, #tpu.memory_space<hbm>>
      %dma_start3A_75 = tpu.memref_squeeze %dma_start3A_74 : memref<1x2x96xi32, #tpu.memory_space<hbm>> -> memref<2x96xi32, #tpu.memory_space<hbm>>
      %dma_start3A_76 = arith.constant 0 : i32
      %dma_start3A_77 = arith.constant 0 : i32
      %dma_start3A_78 = tpu.memref_slice %arg5[%add3A_71, %dma_start3A_76, %dma_start3A_77] : memref<3360x2x96xi32, #tpu.memory_space<hbm>> -> memref<1x2x96xi32, #tpu.memory_space<hbm>>
      %dma_start3A_79 = tpu.memref_squeeze %dma_start3A_78 : memref<1x2x96xi32, #tpu.memory_space<hbm>> -> memref<2x96xi32, #tpu.memory_space<hbm>>
      tpu.enqueue_dma source(%dma_start3A_79 : memref<2x96xi32, #tpu.memory_space<hbm>>) target(%arg9 : memref<2x96xi32, #tpu.memory_space<vmem>>) target_semaphore(%arg16 : memref<!tpu.dma_semaphore, #tpu.memory_space<semaphore_mem>>)
      %add3A_80 = arith.constant 2 : i32
      %add3A_81 = arith.addi %add3A_60, %add3A_80 : i32
      %dma_start3A_82 = arith.constant 0 : i32
      %dma_start3A_83 = arith.constant 0 : i32
      %dma_start3A_84 = tpu.memref_slice %arg5[%add3A_81, %dma_start3A_82, %dma_start3A_83] : memref<3360x2x96xi32, #tpu.memory_space<hbm>> -> memref<1x2x96xi32, #tpu.memory_space<hbm>>
      %dma_start3A_85 = tpu.memref_squeeze %dma_start3A_84 : memref<1x2x96xi32, #tpu.memory_space<hbm>> -> memref<2x96xi32, #tpu.memory_space<hbm>>
      %dma_start3A_86 = arith.constant 0 : i32
      %dma_start3A_87 = arith.constant 0 : i32
      %dma_start3A_88 = tpu.memref_slice %arg5[%add3A_81, %dma_start3A_86, %dma_start3A_87] : memref<3360x2x96xi32, #tpu.memory_space<hbm>> -> memref<1x2x96xi32, #tpu.memory_space<hbm>>
      %dma_start3A_89 = tpu.memref_squeeze %dma_start3A_88 : memref<1x2x96xi32, #tpu.memory_space<hbm>> -> memref<2x96xi32, #tpu.memory_space<hbm>>
      tpu.enqueue_dma source(%dma_start3A_89 : memref<2x96xi32, #tpu.memory_space<hbm>>) target(%arg10 : memref<2x96xi32, #tpu.memory_space<vmem>>) target_semaphore(%arg17 : memref<!tpu.dma_semaphore, #tpu.memory_space<semaphore_mem>>)
      %dma_wait3A = arith.constant 0 : i32
      %dma_wait3A_90 = arith.constant 0 : i32
      %dma_wait3A_91 = tpu.memref_slice %arg5[%add3A_62, %dma_wait3A, %dma_wait3A_90] : memref<3360x2x96xi32, #tpu.memory_space<hbm>> -> memref<1x2x96xi32, #tpu.memory_space<hbm>>
      %dma_wait3A_92 = tpu.memref_squeeze %dma_wait3A_91 : memref<1x2x96xi32, #tpu.memory_space<hbm>> -> memref<2x96xi32, #tpu.memory_space<hbm>>
      %dma_wait3A_93 = arith.constant 0 : i32
      %dma_wait3A_94 = arith.constant 0 : i32
      %dma_wait3A_95 = tpu.memref_slice %arg5[%add3A_62, %dma_wait3A_93, %dma_wait3A_94] : memref<3360x2x96xi32, #tpu.memory_space<hbm>> -> memref<1x2x96xi32, #tpu.memory_space<hbm>>
      %dma_wait3A_96 = tpu.memref_squeeze %dma_wait3A_95 : memref<1x2x96xi32, #tpu.memory_space<hbm>> -> memref<2x96xi32, #tpu.memory_space<hbm>>
      tpu.wait_dma2 semaphore(%arg15 : memref<!tpu.dma_semaphore, #tpu.memory_space<semaphore_mem>>) src(%dma_wait3A_96 : memref<2x96xi32, #tpu.memory_space<hbm>>) dst(%arg8 : memref<2x96xi32, #tpu.memory_space<vmem>>)
      %dma_start3A_97 = arith.constant 0 : i32
      %dma_start3A_98 = arith.constant 0 : i32
      %dma_start3A_99 = tpu.memref_slice %arg8[%dma_start3A_97, %dma_start3A_98] : memref<2x96xi32, #tpu.memory_space<vmem>> -> memref<1x96xi32, #tpu.memory_space<vmem>>
      %dma_start3A_100 = tpu.memref_squeeze %dma_start3A_99 : memref<1x96xi32, #tpu.memory_space<vmem>> -> memref<96xi32, #tpu.memory_space<vmem>>
      %dma_start3A_101 = arith.constant 0 : i32
      %dma_start3A_102 = arith.constant 0 : i32
      %dma_start3A_103 = tpu.memref_slice %arg4[%dma_start3A_101, %dma_start3A_102] : memref<10000x128xf32, #tpu.memory_space<hbm>> -> memref<10000x128xf32, #tpu.memory_space<hbm>>
      tpu.enqueue_indirect_dma source(%dma_start3A_103 : memref<10000x128xf32, #tpu.memory_space<hbm>>) target(%arg11 : memref<96x128xf32, #tpu.memory_space<vmem>>) offsets(%dma_start3A_100 : memref<96xi32, #tpu.memory_space<vmem>>) semaphore(%arg18 : memref<!tpu.dma_semaphore, #tpu.memory_space<semaphore_mem>>)
      %dma_wait3A_104 = arith.constant 0 : i32
      %dma_wait3A_105 = arith.constant 0 : i32
      %dma_wait3A_106 = tpu.memref_slice %arg5[%add3A_71, %dma_wait3A_104, %dma_wait3A_105] : memref<3360x2x96xi32, #tpu.memory_space<hbm>> -> memref<1x2x96xi32, #tpu.memory_space<hbm>>
      %dma_wait3A_107 = tpu.memref_squeeze %dma_wait3A_106 : memref<1x2x96xi32, #tpu.memory_space<hbm>> -> memref<2x96xi32, #tpu.memory_space<hbm>>
      %dma_wait3A_108 = arith.constant 0 : i32
      %dma_wait3A_109 = arith.constant 0 : i32
      %dma_wait3A_110 = tpu.memref_slice %arg5[%add3A_71, %dma_wait3A_108, %dma_wait3A_109] : memref<3360x2x96xi32, #tpu.memory_space<hbm>> -> memref<1x2x96xi32, #tpu.memory_space<hbm>>
      %dma_wait3A_111 = tpu.memref_squeeze %dma_wait3A_110 : memref<1x2x96xi32, #tpu.memory_space<hbm>> -> memref<2x96xi32, #tpu.memory_space<hbm>>
      tpu.wait_dma2 semaphore(%arg16 : memref<!tpu.dma_semaphore, #tpu.memory_space<semaphore_mem>>) src(%dma_wait3A_111 : memref<2x96xi32, #tpu.memory_space<hbm>>) dst(%arg9 : memref<2x96xi32, #tpu.memory_space<vmem>>)
      %dma_start3A_112 = arith.constant 0 : i32
      %dma_start3A_113 = arith.constant 0 : i32
      %dma_start3A_114 = tpu.memref_slice %arg9[%dma_start3A_112, %dma_start3A_113] : memref<2x96xi32, #tpu.memory_space<vmem>> -> memref<1x96xi32, #tpu.memory_space<vmem>>
      %dma_start3A_115 = tpu.memref_squeeze %dma_start3A_114 : memref<1x96xi32, #tpu.memory_space<vmem>> -> memref<96xi32, #tpu.memory_space<vmem>>
      %dma_start3A_116 = arith.constant 0 : i32
      %dma_start3A_117 = arith.constant 0 : i32
      %dma_start3A_118 = tpu.memref_slice %arg4[%dma_start3A_116, %dma_start3A_117] : memref<10000x128xf32, #tpu.memory_space<hbm>> -> memref<10000x128xf32, #tpu.memory_space<hbm>>
      tpu.enqueue_indirect_dma source(%dma_start3A_118 : memref<10000x128xf32, #tpu.memory_space<hbm>>) target(%arg12 : memref<96x128xf32, #tpu.memory_space<vmem>>) offsets(%dma_start3A_115 : memref<96xi32, #tpu.memory_space<vmem>>) semaphore(%arg19 : memref<!tpu.dma_semaphore, #tpu.memory_space<semaphore_mem>>)
      %dma_wait3A_119 = arith.constant 0 : i32
      %dma_wait3A_120 = arith.constant 0 : i32
      %dma_wait3A_121 = tpu.memref_slice %arg5[%add3A_81, %dma_wait3A_119, %dma_wait3A_120] : memref<3360x2x96xi32, #tpu.memory_space<hbm>> -> memref<1x2x96xi32, #tpu.memory_space<hbm>>
      %dma_wait3A_122 = tpu.memref_squeeze %dma_wait3A_121 : memref<1x2x96xi32, #tpu.memory_space<hbm>> -> memref<2x96xi32, #tpu.memory_space<hbm>>
      %dma_wait3A_123 = arith.constant 0 : i32
      %dma_wait3A_124 = arith.constant 0 : i32
      %dma_wait3A_125 = tpu.memref_slice %arg5[%add3A_81, %dma_wait3A_123, %dma_wait3A_124] : memref<3360x2x96xi32, #tpu.memory_space<hbm>> -> memref<1x2x96xi32, #tpu.memory_space<hbm>>
      %dma_wait3A_126 = tpu.memref_squeeze %dma_wait3A_125 : memref<1x2x96xi32, #tpu.memory_space<hbm>> -> memref<2x96xi32, #tpu.memory_space<hbm>>
      tpu.wait_dma2 semaphore(%arg17 : memref<!tpu.dma_semaphore, #tpu.memory_space<semaphore_mem>>) src(%dma_wait3A_126 : memref<2x96xi32, #tpu.memory_space<hbm>>) dst(%arg10 : memref<2x96xi32, #tpu.memory_space<vmem>>)
      %dma_start3A_127 = arith.constant 0 : i32
      %dma_start3A_128 = arith.constant 0 : i32
      %dma_start3A_129 = tpu.memref_slice %arg10[%dma_start3A_127, %dma_start3A_128] : memref<2x96xi32, #tpu.memory_space<vmem>> -> memref<1x96xi32, #tpu.memory_space<vmem>>
      %dma_start3A_130 = tpu.memref_squeeze %dma_start3A_129 : memref<1x96xi32, #tpu.memory_space<vmem>> -> memref<96xi32, #tpu.memory_space<vmem>>
      %dma_start3A_131 = arith.constant 0 : i32
      %dma_start3A_132 = arith.constant 0 : i32
      %dma_start3A_133 = tpu.memref_slice %arg4[%dma_start3A_131, %dma_start3A_132] : memref<10000x128xf32, #tpu.memory_space<hbm>> -> memref<10000x128xf32, #tpu.memory_space<hbm>>
      tpu.enqueue_indirect_dma source(%dma_start3A_133 : memref<10000x128xf32, #tpu.memory_space<hbm>>) target(%arg13 : memref<96x128xf32, #tpu.memory_space<vmem>>) offsets(%dma_start3A_130 : memref<96xi32, #tpu.memory_space<vmem>>) semaphore(%arg20 : memref<!tpu.dma_semaphore, #tpu.memory_space<semaphore_mem>>)
      %dma_wait3A_134 = arith.constant 0 : i32
      %dma_wait3A_135 = arith.constant 0 : i32
      %dma_wait3A_136 = tpu.memref_slice %arg8[%dma_wait3A_134, %dma_wait3A_135] : memref<2x96xi32, #tpu.memory_space<vmem>> -> memref<1x96xi32, #tpu.memory_space<vmem>>
      %dma_wait3A_137 = tpu.memref_squeeze %dma_wait3A_136 : memref<1x96xi32, #tpu.memory_space<vmem>> -> memref<96xi32, #tpu.memory_space<vmem>>
      %dma_wait3A_138 = arith.constant 0 : i32
      %dma_wait3A_139 = arith.constant 0 : i32
      %dma_wait3A_140 = tpu.memref_slice %arg4[%dma_wait3A_138, %dma_wait3A_139] : memref<10000x128xf32, #tpu.memory_space<hbm>> -> memref<10000x128xf32, #tpu.memory_space<hbm>>
      tpu.wait_indirect_dma semaphore(%arg18 : memref<!tpu.dma_semaphore, #tpu.memory_space<semaphore_mem>>) src(%dma_wait3A_140 : memref<10000x128xf32, #tpu.memory_space<hbm>>) dst(%arg11 : memref<96x128xf32, #tpu.memory_space<vmem>>)
      %dma_start3A_141 = arith.constant 1 : i32
      %dma_start3A_142 = arith.constant 0 : i32
      %dma_start3A_143 = tpu.memref_slice %arg8[%dma_start3A_141, %dma_start3A_142] : memref<2x96xi32, #tpu.memory_space<vmem>> -> memref<1x96xi32, #tpu.memory_space<vmem>>
      %dma_start3A_144 = tpu.memref_squeeze %dma_start3A_143 : memref<1x96xi32, #tpu.memory_space<vmem>> -> memref<96xi32, #tpu.memory_space<vmem>>
      %dma_start3A_145 = arith.constant 0 : i32
      %dma_start3A_146 = arith.constant 0 : i32
      %dma_start3A_147 = tpu.memref_slice %arg14[%dma_start3A_145, %dma_start3A_146] : memref<10112x128xf32, #tpu.memory_space<vmem_shared>> -> memref<10112x128xf32, #tpu.memory_space<vmem_shared>>
      tpu.enqueue_indirect_dma source(%arg11 : memref<96x128xf32, #tpu.memory_space<vmem>>) target(%dma_start3A_147 : memref<10112x128xf32, #tpu.memory_space<vmem_shared>>) offsets(%dma_start3A_144 : memref<96xi32, #tpu.memory_space<vmem>>) semaphore(%arg21 : memref<!tpu.dma_semaphore, #tpu.memory_space<semaphore_mem>>) {add = true}
      %dma_wait3A_148 = arith.constant 0 : i32
      %dma_wait3A_149 = arith.constant 0 : i32
      %dma_wait3A_150 = tpu.memref_slice %arg9[%dma_wait3A_148, %dma_wait3A_149] : memref<2x96xi32, #tpu.memory_space<vmem>> -> memref<1x96xi32, #tpu.memory_space<vmem>>
      %dma_wait3A_151 = tpu.memref_squeeze %dma_wait3A_150 : memref<1x96xi32, #tpu.memory_space<vmem>> -> memref<96xi32, #tpu.memory_space<vmem>>
      %dma_wait3A_152 = arith.constant 0 : i32
      %dma_wait3A_153 = arith.constant 0 : i32
      %dma_wait3A_154 = tpu.memref_slice %arg4[%dma_wait3A_152, %dma_wait3A_153] : memref<10000x128xf32, #tpu.memory_space<hbm>> -> memref<10000x128xf32, #tpu.memory_space<hbm>>
      tpu.wait_indirect_dma semaphore(%arg19 : memref<!tpu.dma_semaphore, #tpu.memory_space<semaphore_mem>>) src(%dma_wait3A_154 : memref<10000x128xf32, #tpu.memory_space<hbm>>) dst(%arg12 : memref<96x128xf32, #tpu.memory_space<vmem>>)
      %dma_start3A_155 = arith.constant 1 : i32
      %dma_start3A_156 = arith.constant 0 : i32
      %dma_start3A_157 = tpu.memref_slice %arg9[%dma_start3A_155, %dma_start3A_156] : memref<2x96xi32, #tpu.memory_space<vmem>> -> memref<1x96xi32, #tpu.memory_space<vmem>>
      %dma_start3A_158 = tpu.memref_squeeze %dma_start3A_157 : memref<1x96xi32, #tpu.memory_space<vmem>> -> memref<96xi32, #tpu.memory_space<vmem>>
      %dma_start3A_159 = arith.constant 0 : i32
      %dma_start3A_160 = arith.constant 0 : i32
      %dma_start3A_161 = tpu.memref_slice %arg14[%dma_start3A_159, %dma_start3A_160] : memref<10112x128xf32, #tpu.memory_space<vmem_shared>> -> memref<10112x128xf32, #tpu.memory_space<vmem_shared>>
      tpu.enqueue_indirect_dma source(%arg12 : memref<96x128xf32, #tpu.memory_space<vmem>>) target(%dma_start3A_161 : memref<10112x128xf32, #tpu.memory_space<vmem_shared>>) offsets(%dma_start3A_158 : memref<96xi32, #tpu.memory_space<vmem>>) semaphore(%arg22 : memref<!tpu.dma_semaphore, #tpu.memory_space<semaphore_mem>>) {add = true}
      %dma_wait3A_162 = arith.constant 0 : i32
      %dma_wait3A_163 = arith.constant 0 : i32
      %dma_wait3A_164 = tpu.memref_slice %arg10[%dma_wait3A_162, %dma_wait3A_163] : memref<2x96xi32, #tpu.memory_space<vmem>> -> memref<1x96xi32, #tpu.memory_space<vmem>>
      %dma_wait3A_165 = tpu.memref_squeeze %dma_wait3A_164 : memref<1x96xi32, #tpu.memory_space<vmem>> -> memref<96xi32, #tpu.memory_space<vmem>>
      %dma_wait3A_166 = arith.constant 0 : i32
      %dma_wait3A_167 = arith.constant 0 : i32
      %dma_wait3A_168 = tpu.memref_slice %arg4[%dma_wait3A_166, %dma_wait3A_167] : memref<10000x128xf32, #tpu.memory_space<hbm>> -> memref<10000x128xf32, #tpu.memory_space<hbm>>
      tpu.wait_indirect_dma semaphore(%arg20 : memref<!tpu.dma_semaphore, #tpu.memory_space<semaphore_mem>>) src(%dma_wait3A_168 : memref<10000x128xf32, #tpu.memory_space<hbm>>) dst(%arg13 : memref<96x128xf32, #tpu.memory_space<vmem>>)
      %dma_start3A_169 = arith.constant 1 : i32
      %dma_start3A_170 = arith.constant 0 : i32
      %dma_start3A_171 = tpu.memref_slice %arg10[%dma_start3A_169, %dma_start3A_170] : memref<2x96xi32, #tpu.memory_space<vmem>> -> memref<1x96xi32, #tpu.memory_space<vmem>>
      %dma_start3A_172 = tpu.memref_squeeze %dma_start3A_171 : memref<1x96xi32, #tpu.memory_space<vmem>> -> memref<96xi32, #tpu.memory_space<vmem>>
      %dma_start3A_173 = arith.constant 0 : i32
      %dma_start3A_174 = arith.constant 0 : i32
      %dma_start3A_175 = tpu.memref_slice %arg14[%dma_start3A_173, %dma_start3A_174] : memref<10112x128xf32, #tpu.memory_space<vmem_shared>> -> memref<10112x128xf32, #tpu.memory_space<vmem_shared>>
      tpu.enqueue_indirect_dma source(%arg13 : memref<96x128xf32, #tpu.memory_space<vmem>>) target(%dma_start3A_175 : memref<10112x128xf32, #tpu.memory_space<vmem_shared>>) offsets(%dma_start3A_172 : memref<96xi32, #tpu.memory_space<vmem>>) semaphore(%arg23 : memref<!tpu.dma_semaphore, #tpu.memory_space<semaphore_mem>>) {add = true}
      %dma_wait3A_176 = arith.constant 1 : i32
      %dma_wait3A_177 = arith.constant 0 : i32
      %dma_wait3A_178 = tpu.memref_slice %arg8[%dma_wait3A_176, %dma_wait3A_177] : memref<2x96xi32, #tpu.memory_space<vmem>> -> memref<1x96xi32, #tpu.memory_space<vmem>>
      %dma_wait3A_179 = tpu.memref_squeeze %dma_wait3A_178 : memref<1x96xi32, #tpu.memory_space<vmem>> -> memref<96xi32, #tpu.memory_space<vmem>>
      %dma_wait3A_180 = arith.constant 0 : i32
      %dma_wait3A_181 = arith.constant 0 : i32
      %dma_wait3A_182 = tpu.memref_slice %arg14[%dma_wait3A_180, %dma_wait3A_181] : memref<10112x128xf32, #tpu.memory_space<vmem_shared>> -> memref<10112x128xf32, #tpu.memory_space<vmem_shared>>
      tpu.wait_indirect_dma semaphore(%arg21 : memref<!tpu.dma_semaphore, #tpu.memory_space<semaphore_mem>>) src(%arg11 : memref<96x128xf32, #tpu.memory_space<vmem>>) dst(%dma_wait3A_182 : memref<10112x128xf32, #tpu.memory_space<vmem_shared>>)
      %dma_wait3A_183 = arith.constant 1 : i32
      %dma_wait3A_184 = arith.constant 0 : i32
      %dma_wait3A_185 = tpu.memref_slice %arg9[%dma_wait3A_183, %dma_wait3A_184] : memref<2x96xi32, #tpu.memory_space<vmem>> -> memref<1x96xi32, #tpu.memory_space<vmem>>
      %dma_wait3A_186 = tpu.memref_squeeze %dma_wait3A_185 : memref<1x96xi32, #tpu.memory_space<vmem>> -> memref<96xi32, #tpu.memory_space<vmem>>
      %dma_wait3A_187 = arith.constant 0 : i32
      %dma_wait3A_188 = arith.constant 0 : i32
      %dma_wait3A_189 = tpu.memref_slice %arg14[%dma_wait3A_187, %dma_wait3A_188] : memref<10112x128xf32, #tpu.memory_space<vmem_shared>> -> memref<10112x128xf32, #tpu.memory_space<vmem_shared>>
      tpu.wait_indirect_dma semaphore(%arg22 : memref<!tpu.dma_semaphore, #tpu.memory_space<semaphore_mem>>) src(%arg12 : memref<96x128xf32, #tpu.memory_space<vmem>>) dst(%dma_wait3A_189 : memref<10112x128xf32, #tpu.memory_space<vmem_shared>>)
      %dma_wait3A_190 = arith.constant 1 : i32
      %dma_wait3A_191 = arith.constant 0 : i32
      %dma_wait3A_192 = tpu.memref_slice %arg10[%dma_wait3A_190, %dma_wait3A_191] : memref<2x96xi32, #tpu.memory_space<vmem>> -> memref<1x96xi32, #tpu.memory_space<vmem>>
      %dma_wait3A_193 = tpu.memref_squeeze %dma_wait3A_192 : memref<1x96xi32, #tpu.memory_space<vmem>> -> memref<96xi32, #tpu.memory_space<vmem>>
      %dma_wait3A_194 = arith.constant 0 : i32
      %dma_wait3A_195 = arith.constant 0 : i32
      %dma_wait3A_196 = tpu.memref_slice %arg14[%dma_wait3A_194, %dma_wait3A_195] : memref<10112x128xf32, #tpu.memory_space<vmem_shared>> -> memref<10112x128xf32, #tpu.memory_space<vmem_shared>>
      tpu.wait_indirect_dma semaphore(%arg23 : memref<!tpu.dma_semaphore, #tpu.memory_space<semaphore_mem>>) src(%arg13 : memref<96x128xf32, #tpu.memory_space<vmem>>) dst(%dma_wait3A_196 : memref<10112x128xf32, #tpu.memory_space<vmem_shared>>)
    }
    %scan3A_44 = arith.constant 35 : i32
    %barrier3A_45 = arith.constant 0 : index
    tpu.barrier barrier_id(%barrier3A_45)
    %eq3A_46 = arith.constant 0 : i32
    %eq3A_47 = arith.cmpi eq, %arg0, %eq3A_46 : i32
    %convert_element_type3A_48 = arith.extui %eq3A_47 : i1 to i32
    %cond3A_49 = arith.constant 0 : i32
    %cond3A_50 = arith.cmpi ne, %convert_element_type3A_48, %cond3A_49 : i32
    scf.if %cond3A_50 {
      %run_scoped3A = arith.constant 4 : i32
      "tpu.region"() ({
        %run_scoped3A_57 = tpu.sem_alloc : memref<!tpu.dma_semaphore, #tpu.memory_space<semaphore_mem>>
        %dma_start3A = arith.constant 0 : i32
        %dma_start3A_58 = tpu.memref_slice %arg7[%run_scoped3A, %mul3A_0, %dma_start3A] : memref<6x10112x128xf32, #tpu.memory_space<hbm>> -> memref<1x632x128xf32, #tpu.memory_space<hbm>>
        %dma_start3A_59 = tpu.memref_squeeze %dma_start3A_58 : memref<1x632x128xf32, #tpu.memory_space<hbm>> -> memref<632x128xf32, #tpu.memory_space<hbm>>
        %dma_start3A_60 = arith.constant 0 : i32
        %dma_start3A_61 = tpu.memref_slice %arg14[%mul3A_0, %dma_start3A_60] : memref<10112x128xf32, #tpu.memory_space<vmem_shared>> -> memref<632x128xf32, #tpu.memory_space<vmem_shared>>
        tpu.enqueue_dma source(%dma_start3A_61 : memref<632x128xf32, #tpu.memory_space<vmem_shared>>) target(%dma_start3A_59 : memref<632x128xf32, #tpu.memory_space<hbm>>) target_semaphore(%run_scoped3A_57 : memref<!tpu.dma_semaphore, #tpu.memory_space<semaphore_mem>>)
        %dma_wait3A = arith.constant 0 : i32
        %dma_wait3A_62 = tpu.memref_slice %arg7[%run_scoped3A, %mul3A_0, %dma_wait3A] : memref<6x10112x128xf32, #tpu.memory_space<hbm>> -> memref<1x632x128xf32, #tpu.memory_space<hbm>>
        %dma_wait3A_63 = tpu.memref_squeeze %dma_wait3A_62 : memref<1x632x128xf32, #tpu.memory_space<hbm>> -> memref<632x128xf32, #tpu.memory_space<hbm>>
        %dma_wait3A_64 = arith.constant 0 : i32
        %dma_wait3A_65 = tpu.memref_slice %arg14[%mul3A_0, %dma_wait3A_64] : memref<10112x128xf32, #tpu.memory_space<vmem_shared>> -> memref<632x128xf32, #tpu.memory_space<vmem_shared>>
        tpu.wait_dma2 semaphore(%run_scoped3A_57 : memref<!tpu.dma_semaphore, #tpu.memory_space<semaphore_mem>>) src(%dma_wait3A_65 : memref<632x128xf32, #tpu.memory_space<vmem_shared>>) dst(%dma_wait3A_63 : memref<632x128xf32, #tpu.memory_space<hbm>>)
        tpu.yield
      }) : () -> ()
    } else {
    }
    %eq3A_51 = arith.constant 1 : i32
    %eq3A_52 = arith.cmpi eq, %arg0, %eq3A_51 : i32
    %convert_element_type3A_53 = arith.extui %eq3A_52 : i1 to i32
    %cond3A_54 = arith.constant 0 : i32
    %cond3A_55 = arith.cmpi ne, %convert_element_type3A_53, %cond3A_54 : i32
    scf.if %cond3A_55 {
      %run_scoped3A = arith.constant 5 : i32
      "tpu.region"() ({
        %run_scoped3A_57 = tpu.sem_alloc : memref<!tpu.dma_semaphore, #tpu.memory_space<semaphore_mem>>
        %dma_start3A = arith.constant 0 : i32
        %dma_start3A_58 = tpu.memref_slice %arg7[%run_scoped3A, %mul3A_0, %dma_start3A] : memref<6x10112x128xf32, #tpu.memory_space<hbm>> -> memref<1x632x128xf32, #tpu.memory_space<hbm>>
        %dma_start3A_59 = tpu.memref_squeeze %dma_start3A_58 : memref<1x632x128xf32, #tpu.memory_space<hbm>> -> memref<632x128xf32, #tpu.memory_space<hbm>>
        %dma_start3A_60 = arith.constant 0 : i32
        %dma_start3A_61 = tpu.memref_slice %arg14[%mul3A_0, %dma_start3A_60] : memref<10112x128xf32, #tpu.memory_space<vmem_shared>> -> memref<632x128xf32, #tpu.memory_space<vmem_shared>>
        tpu.enqueue_dma source(%dma_start3A_61 : memref<632x128xf32, #tpu.memory_space<vmem_shared>>) target(%dma_start3A_59 : memref<632x128xf32, #tpu.memory_space<hbm>>) target_semaphore(%run_scoped3A_57 : memref<!tpu.dma_semaphore, #tpu.memory_space<semaphore_mem>>)
        %dma_wait3A = arith.constant 0 : i32
        %dma_wait3A_62 = tpu.memref_slice %arg7[%run_scoped3A, %mul3A_0, %dma_wait3A] : memref<6x10112x128xf32, #tpu.memory_space<hbm>> -> memref<1x632x128xf32, #tpu.memory_space<hbm>>
        %dma_wait3A_63 = tpu.memref_squeeze %dma_wait3A_62 : memref<1x632x128xf32, #tpu.memory_space<hbm>> -> memref<632x128xf32, #tpu.memory_space<hbm>>
        %dma_wait3A_64 = arith.constant 0 : i32
        %dma_wait3A_65 = tpu.memref_slice %arg14[%mul3A_0, %dma_wait3A_64] : memref<10112x128xf32, #tpu.memory_space<vmem_shared>> -> memref<632x128xf32, #tpu.memory_space<vmem_shared>>
        tpu.wait_dma2 semaphore(%run_scoped3A_57 : memref<!tpu.dma_semaphore, #tpu.memory_space<semaphore_mem>>) src(%dma_wait3A_65 : memref<632x128xf32, #tpu.memory_space<vmem_shared>>) dst(%dma_wait3A_63 : memref<632x128xf32, #tpu.memory_space<hbm>>)
        tpu.yield
      }) : () -> ()
    } else {
    }
    %barrier3A_56 = arith.constant 0 : index
    tpu.barrier barrier_id(%barrier3A_56)
    return
  }
}

module attributes {stable_mosaic.version = 14 : i64} {
  func.func @_pre_body(%arg0: i32, %arg1: memref<1000x128xf32, #tpu.memory_space<vmem>>, %arg2: memref<1000x128xf32, #tpu.memory_space<vmem>>, %arg3: memref<128x128xf32, #tpu.memory_space<vmem>>, %arg4: memref<128x128xf32, #tpu.memory_space<vmem>>, %arg5: memref<1x128xf32, #tpu.memory_space<vmem>>, %arg6: memref<1x128xf32, #tpu.memory_space<vmem>>, %arg7: memref<1000x128xf32, #tpu.memory_space<vmem>>, %arg8: memref<1000x128xf32, #tpu.memory_space<vmem>>) attributes {dimension_semantics = [#tpu.dimension_semantics<arbitrary>], iteration_bounds = array<i64: 10>, scalar_prefetch = 0 : i64, scratch_operands = 0 : i64, tpu.core_type = #tpu.core_type<tc>, window_params = [{transform_indices = @transform_0, window_bounds = array<i64: 1000, 128>}, {transform_indices = @transform_1, window_bounds = array<i64: 1000, 128>}, {pipeline_mode = #tpu.pipeline_mode<synchronous>, transform_indices = @transform_2, window_bounds = array<i64: 128, 128>}, {pipeline_mode = #tpu.pipeline_mode<synchronous>, transform_indices = @transform_3, window_bounds = array<i64: 128, 128>}, {pipeline_mode = #tpu.pipeline_mode<synchronous>, transform_indices = @transform_4, window_bounds = array<i64: 1, 128>}, {pipeline_mode = #tpu.pipeline_mode<synchronous>, transform_indices = @transform_5, window_bounds = array<i64: 1, 128>}, {transform_indices = @transform_6, window_bounds = array<i64: 1000, 128>}, {transform_indices = @transform_7, window_bounds = array<i64: 1000, 128>}]} {
    %get3A = arith.constant 0 : index
    %get3A_0 = arith.constant 0 : index
    %get3A_1 = vector.load %arg1[%get3A, %get3A_0] : memref<1000x128xf32, #tpu.memory_space<vmem>>, vector<1000x128xf32>
    %get3A_2 = arith.constant 0 : index
    %get3A_3 = arith.constant 0 : index
    %get3A_4 = vector.load %arg3[%get3A_2, %get3A_3] : memref<128x128xf32, #tpu.memory_space<vmem>>, vector<128x128xf32>
    %dot_general3A = arith.constant dense<0.000000e+00> : vector<1000x128xf32>
    %dot_general3A_5 = tpu.matmul %get3A_1, %get3A_4, %dot_general3A {dimension_numbers = #tpu.dot_dimension_numbers<[1], [0], [0], [1], [0, 0, 1, 1], [], []>, transpose_lhs_hint = false} : vector<1000x128xf32>, vector<128x128xf32>, vector<1000x128xf32> -> vector<1000x128xf32>
    %get3A_6 = arith.constant 0 : index
    %get3A_7 = arith.constant 0 : index
    %get3A_8 = vector.load %arg4[%get3A_6, %get3A_7] : memref<128x128xf32, #tpu.memory_space<vmem>>, vector<128x128xf32>
    %dot_general3A_9 = arith.constant dense<0.000000e+00> : vector<1000x128xf32>
    %dot_general3A_10 = tpu.matmul %get3A_1, %get3A_8, %dot_general3A_9 {dimension_numbers = #tpu.dot_dimension_numbers<[1], [0], [0], [1], [0, 0, 1, 1], [], []>, transpose_lhs_hint = false} : vector<1000x128xf32>, vector<128x128xf32>, vector<1000x128xf32> -> vector<1000x128xf32>
    %get3A_11 = arith.constant 0 : index
    %get3A_12 = arith.constant 0 : index
    %get3A_13 = vector.load %arg5[%get3A_11, %get3A_12] : memref<1x128xf32, #tpu.memory_space<vmem>>, vector<1x128xf32>
    %sub3A = vector.broadcast %get3A_13 : vector<1x128xf32> to vector<1000x128xf32>
    %sub3A_14 = arith.subf %dot_general3A_5, %sub3A : vector<1000x128xf32>
    %get3A_15 = arith.constant 0 : index
    %get3A_16 = arith.constant 0 : index
    %get3A_17 = vector.load %arg6[%get3A_15, %get3A_16] : memref<1x128xf32, #tpu.memory_space<vmem>>, vector<1x128xf32>
    %mul3A = vector.broadcast %get3A_17 : vector<1x128xf32> to vector<1000x128xf32>
    %mul3A_18 = arith.mulf %sub3A_14, %mul3A : vector<1000x128xf32>
    %mul3A_19 = arith.constant -5.000000e-01 : f32
    %mul3A_20 = vector.broadcast %mul3A_19 : f32 to vector<1000x128xf32>
    %mul3A_21 = arith.mulf %mul3A_20, %mul3A_18 : vector<1000x128xf32>
    %mul3A_22 = arith.mulf %mul3A_21, %mul3A_18 : vector<1000x128xf32>
    %exp3A = math.exp %mul3A_22 : vector<1000x128xf32>
    %mul3A_23 = arith.mulf %exp3A, %dot_general3A_10 : vector<1000x128xf32>
    %swap3A = arith.constant 0 : index
    %swap3A_24 = arith.constant 0 : index
    %swap3A_25 = vector.load %arg8[%swap3A, %swap3A_24] : memref<1000x128xf32, #tpu.memory_space<vmem>>, vector<1000x128xf32>
    tpu.vector_store %arg8[%swap3A, %swap3A_24], %mul3A_23 {strides = array<i32>} : memref<1000x128xf32, #tpu.memory_space<vmem>>, vector<1000x128xf32>,
    %get3A_26 = arith.constant 0 : index
    %get3A_27 = arith.constant 0 : index
    %get3A_28 = vector.load %arg2[%get3A_26, %get3A_27] : memref<1000x128xf32, #tpu.memory_space<vmem>>, vector<1000x128xf32>
    %mul3A_29 = arith.mulf %get3A_1, %get3A_28 : vector<1000x128xf32>
    %swap3A_30 = arith.constant 0 : index
    %swap3A_31 = arith.constant 0 : index
    %swap3A_32 = vector.load %arg7[%swap3A_30, %swap3A_31] : memref<1000x128xf32, #tpu.memory_space<vmem>>, vector<1000x128xf32>
    tpu.vector_store %arg7[%swap3A_30, %swap3A_31], %mul3A_29 {strides = array<i32>} : memref<1000x128xf32, #tpu.memory_space<vmem>>, vector<1000x128xf32>,
    return
  }
  func.func @transform_0(%arg0: i32) -> (i32, i32) {
    %c0_i32 = arith.constant 0 : i32
    %c0_i32_0 = arith.constant 0 : i32
    return %arg0, %c0_i32 : i32, i32
  }
  func.func @transform_1(%arg0: i32) -> (i32, i32) {
    %c0_i32 = arith.constant 0 : i32
    %c0_i32_0 = arith.constant 0 : i32
    return %arg0, %c0_i32 : i32, i32
  }
  func.func @transform_2(%arg0: i32) -> (i32, i32) {
    %c0_i32 = arith.constant 0 : i32
    %c0_i32_0 = arith.constant 0 : i32
    %c0_i32_1 = arith.constant 0 : i32
    return %c0_i32, %c0_i32_0 : i32, i32
  }
  func.func @transform_3(%arg0: i32) -> (i32, i32) {
    %c0_i32 = arith.constant 0 : i32
    %c0_i32_0 = arith.constant 0 : i32
    %c0_i32_1 = arith.constant 0 : i32
    return %c0_i32, %c0_i32_0 : i32, i32
  }
  func.func @transform_4(%arg0: i32) -> (i32, i32) {
    %c0_i32 = arith.constant 0 : i32
    %c0_i32_0 = arith.constant 0 : i32
    %c0_i32_1 = arith.constant 0 : i32
    return %c0_i32, %c0_i32_0 : i32, i32
  }
  func.func @transform_5(%arg0: i32) -> (i32, i32) {
    %c0_i32 = arith.constant 0 : i32
    %c0_i32_0 = arith.constant 0 : i32
    %c0_i32_1 = arith.constant 0 : i32
    return %c0_i32, %c0_i32_0 : i32, i32
  }
  func.func @transform_6(%arg0: i32) -> (i32, i32) {
    %c0_i32 = arith.constant 0 : i32
    %c0_i32_0 = arith.constant 0 : i32
    return %arg0, %c0_i32 : i32, i32
  }
  func.func @transform_7(%arg0: i32) -> (i32, i32) {
    %c0_i32 = arith.constant 0 : i32
    %c0_i32_0 = arith.constant 0 : i32
    return %arg0, %c0_i32 : i32, i32
  }
}

module attributes {stable_mosaic.version = 14 : i64} {
  func.func @_post_body(%arg0: i32, %arg1: memref<1000x128xf32, #tpu.memory_space<vmem>>, %arg2: memref<6x1000x128xf32, #tpu.memory_space<vmem>>, %arg3: memref<128x128xf32, #tpu.memory_space<vmem>>, %arg4: memref<1x128xf32, #tpu.memory_space<vmem>>, %arg5: memref<128x128xf32, #tpu.memory_space<vmem>>, %arg6: memref<1x128xf32, #tpu.memory_space<vmem>>, %arg7: memref<128x128xf32, #tpu.memory_space<vmem>>, %arg8: memref<1x128xf32, #tpu.memory_space<vmem>>, %arg9: memref<128x128xf32, #tpu.memory_space<vmem>>, %arg10: memref<1x128xf32, #tpu.memory_space<vmem>>, %arg11: memref<1x128xf32, #tpu.memory_space<vmem>>, %arg12: memref<1x128xf32, #tpu.memory_space<vmem>>, %arg13: memref<128x128xf32, #tpu.memory_space<vmem>>, %arg14: memref<1x128xf32, #tpu.memory_space<vmem>>, %arg15: memref<128x128xf32, #tpu.memory_space<vmem>>, %arg16: memref<1000x128xf32, #tpu.memory_space<vmem>>) attributes {dimension_semantics = [#tpu.dimension_semantics<arbitrary>], iteration_bounds = array<i64: 10>, scalar_prefetch = 0 : i64, scratch_operands = 0 : i64, tpu.core_type = #tpu.core_type<tc>, window_params = [{transform_indices = @transform_0, window_bounds = array<i64: 1000, 128>}, {transform_indices = @transform_1, window_bounds = array<i64: 6, 1000, 128>}, {pipeline_mode = #tpu.pipeline_mode<synchronous>, transform_indices = @transform_2, window_bounds = array<i64: 128, 128>}, {pipeline_mode = #tpu.pipeline_mode<synchronous>, transform_indices = @transform_3, window_bounds = array<i64: 1, 128>}, {pipeline_mode = #tpu.pipeline_mode<synchronous>, transform_indices = @transform_4, window_bounds = array<i64: 128, 128>}, {pipeline_mode = #tpu.pipeline_mode<synchronous>, transform_indices = @transform_5, window_bounds = array<i64: 1, 128>}, {pipeline_mode = #tpu.pipeline_mode<synchronous>, transform_indices = @transform_6, window_bounds = array<i64: 128, 128>}, {pipeline_mode = #tpu.pipeline_mode<synchronous>, transform_indices = @transform_7, window_bounds = array<i64: 1, 128>}, {pipeline_mode = #tpu.pipeline_mode<synchronous>, transform_indices = @transform_8, window_bounds = array<i64: 128, 128>}, {pipeline_mode = #tpu.pipeline_mode<synchronous>, transform_indices = @transform_9, window_bounds = array<i64: 1, 128>}, {pipeline_mode = #tpu.pipeline_mode<synchronous>, transform_indices = @transform_10, window_bounds = array<i64: 1, 128>}, {pipeline_mode = #tpu.pipeline_mode<synchronous>, transform_indices = @transform_11, window_bounds = array<i64: 1, 128>}, {pipeline_mode = #tpu.pipeline_mode<synchronous>, transform_indices = @transform_12, window_bounds = array<i64: 128, 128>}, {pipeline_mode = #tpu.pipeline_mode<synchronous>, transform_indices = @transform_13, window_bounds = array<i64: 1, 128>}, {pipeline_mode = #tpu.pipeline_mode<synchronous>, transform_indices = @transform_14, window_bounds = array<i64: 128, 128>}, {transform_indices = @transform_15, window_bounds = array<i64: 1000, 128>}]} {
    %get3A = arith.constant 0 : index
    %get3A_0 = arith.constant 0 : index
    %get3A_1 = vector.load %arg1[%get3A, %get3A_0] : memref<1000x128xf32, #tpu.memory_space<vmem>>, vector<1000x128xf32>
    %get3A_2 = arith.constant 0 : index
    %get3A_3 = arith.constant 0 : index
    %get3A_4 = arith.constant 0 : index
    %get3A_5 = vector.load %arg2[%get3A_2, %get3A_3, %get3A_4] : memref<6x1000x128xf32, #tpu.memory_space<vmem>>, vector<1x1000x128xf32>
    %get3A_6 = vector.shape_cast %get3A_5 : vector<1x1000x128xf32> to vector<1000x128xf32>
    %get3A_7 = arith.constant 1 : index
    %get3A_8 = arith.constant 0 : index
    %get3A_9 = arith.constant 0 : index
    %get3A_10 = vector.load %arg2[%get3A_7, %get3A_8, %get3A_9] : memref<6x1000x128xf32, #tpu.memory_space<vmem>>, vector<1x1000x128xf32>
    %get3A_11 = vector.shape_cast %get3A_10 : vector<1x1000x128xf32> to vector<1000x128xf32>
    %add3A = arith.addf %get3A_6, %get3A_11 : vector<1000x128xf32>
    %get3A_12 = arith.constant 2 : index
    %get3A_13 = arith.constant 0 : index
    %get3A_14 = arith.constant 0 : index
    %get3A_15 = vector.load %arg2[%get3A_12, %get3A_13, %get3A_14] : memref<6x1000x128xf32, #tpu.memory_space<vmem>>, vector<1x1000x128xf32>
    %get3A_16 = vector.shape_cast %get3A_15 : vector<1x1000x128xf32> to vector<1000x128xf32>
    %get3A_17 = arith.constant 3 : index
    %get3A_18 = arith.constant 0 : index
    %get3A_19 = arith.constant 0 : index
    %get3A_20 = vector.load %arg2[%get3A_17, %get3A_18, %get3A_19] : memref<6x1000x128xf32, #tpu.memory_space<vmem>>, vector<1x1000x128xf32>
    %get3A_21 = vector.shape_cast %get3A_20 : vector<1x1000x128xf32> to vector<1000x128xf32>
    %add3A_22 = arith.addf %get3A_16, %get3A_21 : vector<1000x128xf32>
    %get3A_23 = arith.constant 4 : index
    %get3A_24 = arith.constant 0 : index
    %get3A_25 = arith.constant 0 : index
    %get3A_26 = vector.load %arg2[%get3A_23, %get3A_24, %get3A_25] : memref<6x1000x128xf32, #tpu.memory_space<vmem>>, vector<1x1000x128xf32>
    %get3A_27 = vector.shape_cast %get3A_26 : vector<1x1000x128xf32> to vector<1000x128xf32>
    %get3A_28 = arith.constant 5 : index
    %get3A_29 = arith.constant 0 : index
    %get3A_30 = arith.constant 0 : index
    %get3A_31 = vector.load %arg2[%get3A_28, %get3A_29, %get3A_30] : memref<6x1000x128xf32, #tpu.memory_space<vmem>>, vector<1x1000x128xf32>
    %get3A_32 = vector.shape_cast %get3A_31 : vector<1x1000x128xf32> to vector<1000x128xf32>
    %add3A_33 = arith.addf %get3A_27, %get3A_32 : vector<1000x128xf32>
    %sub3A = arith.subf %add3A, %add3A_22 : vector<1000x128xf32>
    %get3A_34 = arith.constant 0 : index
    %get3A_35 = arith.constant 0 : index
    %get3A_36 = vector.load %arg3[%get3A_34, %get3A_35] : memref<128x128xf32, #tpu.memory_space<vmem>>, vector<128x128xf32>
    %dot_general3A = arith.constant dense<0.000000e+00> : vector<1000x128xf32>
    %dot_general3A_37 = tpu.matmul %get3A_1, %get3A_36, %dot_general3A {dimension_numbers = #tpu.dot_dimension_numbers<[1], [0], [0], [1], [0, 0, 1, 1], [], []>, transpose_lhs_hint = false} : vector<1000x128xf32>, vector<128x128xf32>, vector<1000x128xf32> -> vector<1000x128xf32>
    %get3A_38 = arith.constant 0 : index
    %get3A_39 = arith.constant 0 : index
    %get3A_40 = vector.load %arg4[%get3A_38, %get3A_39] : memref<1x128xf32, #tpu.memory_space<vmem>>, vector<1x128xf32>
    %add3A_41 = vector.broadcast %get3A_40 : vector<1x128xf32> to vector<1000x128xf32>
    %add3A_42 = arith.addf %dot_general3A_37, %add3A_41 : vector<1000x128xf32>
    %mul3A = arith.mulf %add3A_22, %add3A_42 : vector<1000x128xf32>
    %get3A_43 = arith.constant 0 : index
    %get3A_44 = arith.constant 0 : index
    %get3A_45 = vector.load %arg5[%get3A_43, %get3A_44] : memref<128x128xf32, #tpu.memory_space<vmem>>, vector<128x128xf32>
    %dot_general3A_46 = arith.constant dense<0.000000e+00> : vector<1000x128xf32>
    %dot_general3A_47 = tpu.matmul %mul3A, %get3A_45, %dot_general3A_46 {dimension_numbers = #tpu.dot_dimension_numbers<[1], [0], [0], [1], [0, 0, 1, 1], [], []>, transpose_lhs_hint = false} : vector<1000x128xf32>, vector<128x128xf32>, vector<1000x128xf32> -> vector<1000x128xf32>
    %get3A_48 = arith.constant 0 : index
    %get3A_49 = arith.constant 0 : index
    %get3A_50 = vector.load %arg6[%get3A_48, %get3A_49] : memref<1x128xf32, #tpu.memory_space<vmem>>, vector<1x128xf32>
    %add3A_51 = vector.broadcast %get3A_50 : vector<1x128xf32> to vector<1000x128xf32>
    %add3A_52 = arith.addf %dot_general3A_47, %add3A_51 : vector<1000x128xf32>
    %max3A = arith.constant 0.000000e+00 : f32
    %max3A_53 = vector.broadcast %max3A : f32 to vector<1000x128xf32>
    %max3A_54 = arith.maximumf %add3A_52, %max3A_53 : vector<1000x128xf32>
    %get3A_55 = arith.constant 0 : index
    %get3A_56 = arith.constant 0 : index
    %get3A_57 = vector.load %arg7[%get3A_55, %get3A_56] : memref<128x128xf32, #tpu.memory_space<vmem>>, vector<128x128xf32>
    %dot_general3A_58 = arith.constant dense<0.000000e+00> : vector<1000x128xf32>
    %dot_general3A_59 = tpu.matmul %get3A_1, %get3A_57, %dot_general3A_58 {dimension_numbers = #tpu.dot_dimension_numbers<[1], [0], [0], [1], [0, 0, 1, 1], [], []>, transpose_lhs_hint = false} : vector<1000x128xf32>, vector<128x128xf32>, vector<1000x128xf32> -> vector<1000x128xf32>
    %get3A_60 = arith.constant 0 : index
    %get3A_61 = arith.constant 0 : index
    %get3A_62 = vector.load %arg8[%get3A_60, %get3A_61] : memref<1x128xf32, #tpu.memory_space<vmem>>, vector<1x128xf32>
    %add3A_63 = vector.broadcast %get3A_62 : vector<1x128xf32> to vector<1000x128xf32>
    %add3A_64 = arith.addf %dot_general3A_59, %add3A_63 : vector<1000x128xf32>
    %mul3A_65 = arith.mulf %sub3A, %add3A_64 : vector<1000x128xf32>
    %get3A_66 = arith.constant 0 : index
    %get3A_67 = arith.constant 0 : index
    %get3A_68 = vector.load %arg9[%get3A_66, %get3A_67] : memref<128x128xf32, #tpu.memory_space<vmem>>, vector<128x128xf32>
    %dot_general3A_69 = arith.constant dense<0.000000e+00> : vector<1000x128xf32>
    %dot_general3A_70 = tpu.matmul %mul3A_65, %get3A_68, %dot_general3A_69 {dimension_numbers = #tpu.dot_dimension_numbers<[1], [0], [0], [1], [0, 0, 1, 1], [], []>, transpose_lhs_hint = false} : vector<1000x128xf32>, vector<128x128xf32>, vector<1000x128xf32> -> vector<1000x128xf32>
    %get3A_71 = arith.constant 0 : index
    %get3A_72 = arith.constant 0 : index
    %get3A_73 = vector.load %arg10[%get3A_71, %get3A_72] : memref<1x128xf32, #tpu.memory_space<vmem>>, vector<1x128xf32>
    %add3A_74 = vector.broadcast %get3A_73 : vector<1x128xf32> to vector<1000x128xf32>
    %add3A_75 = arith.addf %dot_general3A_70, %add3A_74 : vector<1000x128xf32>
    %max3A_76 = arith.constant 0.000000e+00 : f32
    %max3A_77 = vector.broadcast %max3A_76 : f32 to vector<1000x128xf32>
    %max3A_78 = arith.maximumf %add3A_75, %max3A_77 : vector<1000x128xf32>
    %get3A_79 = arith.constant 0 : index
    %get3A_80 = arith.constant 0 : index
    %get3A_81 = vector.load %arg11[%get3A_79, %get3A_80] : memref<1x128xf32, #tpu.memory_space<vmem>>, vector<1x128xf32>
    %mul3A_82 = vector.broadcast %get3A_81 : vector<1x128xf32> to vector<1000x128xf32>
    %mul3A_83 = arith.mulf %get3A_1, %mul3A_82 : vector<1000x128xf32>
    %reduce_sum3A = arith.constant dense<0.000000e+00> : vector<1000xf32>
    %reduce_sum3A_84 = vector.multi_reduction <add>, %mul3A_83, %reduce_sum3A [1] : vector<1000x128xf32> to vector<1000xf32>
    %broadcast_in_dim3A = vector.shape_cast %reduce_sum3A_84 : vector<1000xf32> to vector<1000x1xf32>
    %get3A_85 = arith.constant 0 : index
    %get3A_86 = arith.constant 0 : index
    %get3A_87 = vector.load %arg12[%get3A_85, %get3A_86] : memref<1x128xf32, #tpu.memory_space<vmem>>, vector<1x128xf32>
    %slice3A = vector.extract_strided_slice %get3A_87 {offsets = [0, 0], sizes = [1, 1], strides = [1, 1]} : vector<1x128xf32> to vector<1x1xf32>
    %add3A_88 = vector.broadcast %slice3A : vector<1x1xf32> to vector<1000x1xf32>
    %add3A_89 = arith.addf %broadcast_in_dim3A, %add3A_88 : vector<1000x1xf32>
    %max3A_90 = arith.constant 0.000000e+00 : f32
    %max3A_91 = vector.broadcast %max3A_90 : f32 to vector<1000x1xf32>
    %max3A_92 = arith.maximumf %add3A_89, %max3A_91 : vector<1000x1xf32>
    %logistic3A = arith.negf %max3A_92 : vector<1000x1xf32>
    %logistic3A_93 = math.exp %logistic3A : vector<1000x1xf32>
    %logistic3A_94 = arith.constant 1.000000e+00 : f32
    %logistic3A_95 = vector.broadcast %logistic3A_94 : f32 to vector<1000x1xf32>
    %logistic3A_96 = arith.addf %logistic3A_95, %logistic3A_93 : vector<1000x1xf32>
    %logistic3A_97 = arith.divf %logistic3A_95, %logistic3A_96 : vector<1000x1xf32>
    %get3A_98 = arith.constant 0 : index
    %get3A_99 = arith.constant 0 : index
    %get3A_100 = vector.load %arg13[%get3A_98, %get3A_99] : memref<128x128xf32, #tpu.memory_space<vmem>>, vector<128x128xf32>
    %dot_general3A_101 = arith.constant dense<0.000000e+00> : vector<1000x128xf32>
    %dot_general3A_102 = tpu.matmul %get3A_1, %get3A_100, %dot_general3A_101 {dimension_numbers = #tpu.dot_dimension_numbers<[1], [0], [0], [1], [0, 0, 1, 1], [], []>, transpose_lhs_hint = false} : vector<1000x128xf32>, vector<128x128xf32>, vector<1000x128xf32> -> vector<1000x128xf32>
    %get3A_103 = arith.constant 0 : index
    %get3A_104 = arith.constant 0 : index
    %get3A_105 = vector.load %arg14[%get3A_103, %get3A_104] : memref<1x128xf32, #tpu.memory_space<vmem>>, vector<1x128xf32>
    %add3A_106 = vector.broadcast %get3A_105 : vector<1x128xf32> to vector<1000x128xf32>
    %add3A_107 = arith.addf %dot_general3A_102, %add3A_106 : vector<1000x128xf32>
    %mul3A_108 = vector.broadcast %logistic3A_97 : vector<1000x1xf32> to vector<1000x128xf32>
    %mul3A_109 = arith.mulf %mul3A_108, %max3A_78 : vector<1000x128xf32>
    %add3A_110 = arith.addf %add3A_107, %mul3A_109 : vector<1000x128xf32>
    %sub3A_111 = arith.constant 1.000000e+00 : f32
    %sub3A_112 = vector.broadcast %sub3A_111 : f32 to vector<1000x1xf32>
    %sub3A_113 = arith.subf %sub3A_112, %logistic3A_97 : vector<1000x1xf32>
    %mul3A_114 = vector.broadcast %sub3A_113 : vector<1000x1xf32> to vector<1000x128xf32>
    %mul3A_115 = arith.mulf %mul3A_114, %max3A_54 : vector<1000x128xf32>
    %add3A_116 = arith.addf %add3A_110, %mul3A_115 : vector<1000x128xf32>
    %get3A_117 = arith.constant 0 : index
    %get3A_118 = arith.constant 0 : index
    %get3A_119 = vector.load %arg15[%get3A_117, %get3A_118] : memref<128x128xf32, #tpu.memory_space<vmem>>, vector<128x128xf32>
    %dot_general3A_120 = arith.constant dense<0.000000e+00> : vector<1000x128xf32>
    %dot_general3A_121 = tpu.matmul %add3A_33, %get3A_119, %dot_general3A_120 {dimension_numbers = #tpu.dot_dimension_numbers<[1], [0], [0], [1], [0, 0, 1, 1], [], []>, transpose_lhs_hint = false} : vector<1000x128xf32>, vector<128x128xf32>, vector<1000x128xf32> -> vector<1000x128xf32>
    %add3A_122 = arith.addf %add3A_116, %dot_general3A_121 : vector<1000x128xf32>
    %gt3A = arith.constant 0.000000e+00 : f32
    %gt3A_123 = vector.broadcast %gt3A : f32 to vector<1000x128xf32>
    %gt3A_124 = arith.cmpf ogt, %add3A_122, %gt3A_123 : vector<1000x128xf32>
    %mul3A_125 = arith.constant 0.00999999977 : f32
    %mul3A_126 = vector.broadcast %mul3A_125 : f32 to vector<1000x128xf32>
    %mul3A_127 = arith.mulf %mul3A_126, %add3A_122 : vector<1000x128xf32>
    %select_n3A = arith.select %gt3A_124, %add3A_122, %mul3A_127 : vector<1000x128xi1>, vector<1000x128xf32>
    %swap3A = arith.constant 0 : index
    %swap3A_128 = arith.constant 0 : index
    %swap3A_129 = vector.load %arg16[%swap3A, %swap3A_128] : memref<1000x128xf32, #tpu.memory_space<vmem>>, vector<1000x128xf32>
    tpu.vector_store %arg16[%swap3A, %swap3A_128], %select_n3A {strides = array<i32>} : memref<1000x128xf32, #tpu.memory_space<vmem>>, vector<1000x128xf32>,
    return
  }
  func.func @transform_0(%arg0: i32) -> (i32, i32) {
    %c0_i32 = arith.constant 0 : i32
    %c0_i32_0 = arith.constant 0 : i32
    return %arg0, %c0_i32 : i32, i32
  }
  func.func @transform_1(%arg0: i32) -> (i32, i32, i32) {
    %c0_i32 = arith.constant 0 : i32
    %c0_i32_0 = arith.constant 0 : i32
    %c0_i32_1 = arith.constant 0 : i32
    return %c0_i32, %arg0, %c0_i32_0 : i32, i32, i32
  }
  func.func @transform_2(%arg0: i32) -> (i32, i32) {
    %c0_i32 = arith.constant 0 : i32
    %c0_i32_0 = arith.constant 0 : i32
    %c0_i32_1 = arith.constant 0 : i32
    return %c0_i32, %c0_i32_0 : i32, i32
  }
  func.func @transform_3(%arg0: i32) -> (i32, i32) {
    %c0_i32 = arith.constant 0 : i32
    %c0_i32_0 = arith.constant 0 : i32
    %c0_i32_1 = arith.constant 0 : i32
    return %c0_i32, %c0_i32_0 : i32, i32
  }
  func.func @transform_4(%arg0: i32) -> (i32, i32) {
    %c0_i32 = arith.constant 0 : i32
    %c0_i32_0 = arith.constant 0 : i32
    %c0_i32_1 = arith.constant 0 : i32
    return %c0_i32, %c0_i32_0 : i32, i32
  }
  func.func @transform_5(%arg0: i32) -> (i32, i32) {
    %c0_i32 = arith.constant 0 : i32
    %c0_i32_0 = arith.constant 0 : i32
    %c0_i32_1 = arith.constant 0 : i32
    return %c0_i32, %c0_i32_0 : i32, i32
  }
  func.func @transform_6(%arg0: i32) -> (i32, i32) {
    %c0_i32 = arith.constant 0 : i32
    %c0_i32_0 = arith.constant 0 : i32
    %c0_i32_1 = arith.constant 0 : i32
    return %c0_i32, %c0_i32_0 : i32, i32
  }
  func.func @transform_7(%arg0: i32) -> (i32, i32) {
    %c0_i32 = arith.constant 0 : i32
    %c0_i32_0 = arith.constant 0 : i32
    %c0_i32_1 = arith.constant 0 : i32
    return %c0_i32, %c0_i32_0 : i32, i32
  }
  func.func @transform_8(%arg0: i32) -> (i32, i32) {
    %c0_i32 = arith.constant 0 : i32
    %c0_i32_0 = arith.constant 0 : i32
    %c0_i32_1 = arith.constant 0 : i32
    return %c0_i32, %c0_i32_0 : i32, i32
  }
  func.func @transform_9(%arg0: i32) -> (i32, i32) {
    %c0_i32 = arith.constant 0 : i32
    %c0_i32_0 = arith.constant 0 : i32
    %c0_i32_1 = arith.constant 0 : i32
    return %c0_i32, %c0_i32_0 : i32, i32
  }
  func.func @transform_10(%arg0: i32) -> (i32, i32) {
    %c0_i32 = arith.constant 0 : i32
    %c0_i32_0 = arith.constant 0 : i32
    %c0_i32_1 = arith.constant 0 : i32
    return %c0_i32, %c0_i32_0 : i32, i32
  }
  func.func @transform_11(%arg0: i32) -> (i32, i32) {
    %c0_i32 = arith.constant 0 : i32
    %c0_i32_0 = arith.constant 0 : i32
    %c0_i32_1 = arith.constant 0 : i32
    return %c0_i32, %c0_i32_0 : i32, i32
  }
  func.func @transform_12(%arg0: i32) -> (i32, i32) {
    %c0_i32 = arith.constant 0 : i32
    %c0_i32_0 = arith.constant 0 : i32
    %c0_i32_1 = arith.constant 0 : i32
    return %c0_i32, %c0_i32_0 : i32, i32
  }
  func.func @transform_13(%arg0: i32) -> (i32, i32) {
    %c0_i32 = arith.constant 0 : i32
    %c0_i32_0 = arith.constant 0 : i32
    %c0_i32_1 = arith.constant 0 : i32
    return %c0_i32, %c0_i32_0 : i32, i32
  }
  func.func @transform_14(%arg0: i32) -> (i32, i32) {
    %c0_i32 = arith.constant 0 : i32
    %c0_i32_0 = arith.constant 0 : i32
    %c0_i32_1 = arith.constant 0 : i32
    return %c0_i32, %c0_i32_0 : i32, i32
  }
  func.func @transform_15(%arg0: i32) -> (i32, i32) {
    %c0_i32 = arith.constant 0 : i32
    %c0_i32_0 = arith.constant 0 : i32
    return %arg0, %c0_i32 : i32, i32
  }
}

</mosaic_0001>

<sc_bundles>
// kernel: kernel.5.cloned.1.call-start
scs
__scs_entry_jumppad:
0x0: {  	(pc) =	sbr.rel $0x88, $3  }
0x1: {  	(tag) =	ssettag $0x0;
	lr =	simm.s32 $0x1  }
0x2: {  	[smem:$0x3F8D] =	sst lr;
	_ =	strace $0xD0000000  }
0x3: {  	_ = 	snop  }
0x4: {  	_ = 	snop  }
0x5: {  	_ = 	snop  }
0x6: {  	_ = 	snop  }
0x7: {  	_ = 	snop  }
__scs_overlays_trampoline_lowered:
0x8: {  	[smem:$0x3F9C] =	sst s0  }
0x9: {  	[smem:$0x3F9D] =	sst s1  }
0xa: {  	[smem:$0x3F9E] =	sst s2  }
0xb: {  	[smem:$0x3F9F] =	sst s3  }
0xc: {  	[smem:$0x3FA0] =	sst s4  }
0xd: {  	[smem:$0x3FA1] =	sst s5  }
0xe: {  	[smem:$0x3FA2] =	sst s6  }
0xf: {  	[smem:$0x3FA3] =	sst s7  }
0x10: {  	[smem:$0x3FA4] =	sst s8  }
0x11: {  	[smem:$0x3FA5] =	sst s9;
	s0 =	simm.s32 @!p0 $0x0  }
0x12: {  	s1 =	sld [smem:$0x3F8B];
	s0 =	simm.s32 @p0 $0x1  }
0x13: {  	[smem:$0x3FA6] =	sst s0;
	s0 =	simm.s32 @!p1 $0x0  }
0x14: {  	s2 =	sld [smem:$0x3F8A];
	s0 =	simm.s32 @p1 $0x1  }
0x15: {  	[smem:$0x3FA7] =	sst s0;
	s0 =	simm.s32 @!p2 $0x0  }
0x16: {  	s3 =	sld [smem:$0x3FDB];
	s0 =	simm.s32 @p2 $0x1  }
0x17: {  	s4 =	simm.s32 $0x1BF5;
	[smem:$0x3FA9] =	sst s0  }
0x18: {  	s0 =	sld [smem:$0x3F8C];
	_ =	swait.ge [sflag:s4], $0x0  }
0x19: {  	s7 =	sld [smem:$0x3F8D]  }
0x1a: {  	s8 =	sadd.s32 $0xFFFFE003, lr  }
0x1b: {  	s9 =	sadd.s32 $0xFFFFFEF7, lr;
	s5 =	simm.s32 $0xFFFFFFFF;
	p2 =	slt.u32 s8, $0xFFFFF086  }
0x1c: {  	p1 =	slt.u32 s9, $0xF7A;
	s5 =	simm.s32 @!p2 $0x0  }
0x1d: {  	s5 =	simm.s32 @p1 $0x1;
	p0 =	seq.s32 s7, s2  }
0x1e: {  	s7 =	smul.u32 @!p0 $0xF7A, s2;
	p2 =	seq.s32 @!p0 s5, $0x0  }
0x1f: {  	s9 =	smul.u32 $0xF7A, s1;
	s8 =	simm.s32 @!p0 $0x1BF5;
	p2 =	por !p2, p0  }
0x20: {  	[sflag:s8] =	ssyncset.s32 @!p0 $0xFFFFF086;
	s6 =	sadd.s32 @!p0 s3, s7;
	s7 =	simm.s32 @!p0 $0x108  }
0x21: {  	s3 =	sadd.s32 s3, s9;
	s6 =	sadd.s32 @!p0 $0x88, s6;
	s7 =	simm.s32 @p2 $0x1082  }
0x22: {  	[simem:s7], [sflag:s8] =	dma.local @!p0 [hbm:s6], $0xF7A  }
0x23: {  	s9 =	sor.u32 $0xD0000000, s2;
	s6 =	simm.s32 $0x108;
	_ =	swait.ge @!p0 [sflag:s8], $0x0  }
0x24: {  	s3 =	sadd.s32 $0x88, s3;
	s6 =	simm.s32 @!p1 $0x1082;
	[sflag:s4] =	ssyncset.s32 $0xFFFFF086  }
0x25: {  	[simem:s6], [sflag:s4] =	dma.local [hbm:s3], $0xF7A  }
0x26: {  	[smem:$0x3F8D] =	sst s1;
	(tag) =	ssettag s2;
	_ =	strace s9  }
0x27: {  	s1 =	sld [smem:$0x3F9D]  }
0x28: {  	s2 =	sld [smem:$0x3F9E]  }
0x29: {  	s4 =	sld [smem:$0x3FA0]  }
0x2a: {  	p0 =	seq.s32 s5, $0x0;
	s5 =	sld [smem:$0x3FA1]  }
0x2b: {  	s6 =	sld [smem:$0x3FA2]  }
0x2c: {  	s7 =	sld [smem:$0x3FA3]  }
0x2d: {  	s3 =	simm.s32 $0x108;
	s8 =	sld [smem:$0x3FA4]  }
0x2e: {  	s3 =	simm.s32 @!p0 $0x1082;
	s9 =	sld [smem:$0x3FA5]  }
0x2f: {  	lr =	sadd.s32 s0, s3;
	s0 =	sld [smem:$0x3F9C]  }
0x30: {  	s3 =	sld [smem:$0x3F9F]  }
0x31: {  	[smem:$0x3FA8] =	sst s10  }
0x32: {  	s10 =	sld [smem:$0x3FA6];
	_ =	sdelay $0x3  }
0x33: {  	p0 =	seq.s32 s10, $0x1;
	s10 =	sld [smem:$0x3FA8];
	_ =	sdelay $0x3  }
0x34: {  	[smem:$0x3FA8] =	sst s10  }
0x35: {  	s10 =	sld [smem:$0x3FA7];
	_ =	sdelay $0x3  }
0x36: {  	p1 =	seq.s32 s10, $0x1;
	s10 =	sld [smem:$0x3FA8];
	_ =	sdelay $0x3  }
0x37: {  	[smem:$0x3FA8] =	sst s10  }
0x38: {  	s10 =	sld [smem:$0x3FA9]  }
0x39: {  	_ = 	snop;
	(pc) =	sbr.ind lr, $3  }
0x3a: {  	_ = 	snop  }
0x3b: {  	_ = 	snop  }
0x3c: {  	p2 =	seq.s32 s10, $0x1;
	s10 =	sld [smem:$0x3FA8]  }
0x3d: {  	_ =	shalt  }
0x3e: {  	_ =	shalt  }
0x3f: {  	_ =	shalt  }
0x40: {  	_ =	shalt  }
0x41: {  	_ =	shalt  }
0x42: {  	_ =	shalt  }
0x43: {  	_ =	shalt  }
0x44: {  	_ =	shalt  }
0x45: {  	_ =	shalt  }
0x46: {  	_ =	shalt  }
0x47: {  	_ =	shalt  }
0x48: {  	_ =	shalt  }
0x49: {  	_ =	shalt  }
0x4a: {  	_ =	shalt  }
0x4b: {  	_ =	shalt  }
0x4c: {  	_ =	shalt  }
0x4d: {  	_ =	shalt  }
0x4e: {  	_ =	shalt  }
0x4f: {  	_ =	shalt  }
0x50: {  	_ =	shalt  }
0x51: {  	_ =	shalt  }
0x52: {  	_ =	shalt  }
0x53: {  	_ =	shalt  }
0x54: {  	_ =	shalt  }
0x55: {  	_ =	shalt  }
0x56: {  	_ =	shalt  }
0x57: {  	_ =	shalt  }
0x58: {  	_ =	shalt  }
0x59: {  	_ =	shalt  }
0x5a: {  	_ =	shalt  }
0x5b: {  	_ =	shalt  }
0x5c: {  	_ =	shalt  }
0x5d: {  	_ =	shalt  }
0x5e: {  	_ =	shalt  }
0x5f: {  	_ =	shalt  }
0x60: {  	_ =	shalt  }
0x61: {  	_ =	shalt  }
0x62: {  	_ =	shalt  }
0x63: {  	_ =	shalt  }
0x64: {  	_ =	shalt  }
0x65: {  	_ =	shalt  }
0x66: {  	_ =	shalt  }
0x67: {  	_ =	shalt  }
0x68: {  	_ =	shalt  }
0x69: {  	_ =	shalt  }
0x6a: {  	_ =	shalt  }
0x6b: {  	_ =	shalt  }
0x6c: {  	_ =	shalt  }
0x6d: {  	_ =	shalt  }
0x6e: {  	_ =	shalt  }
0x6f: {  	_ =	shalt  }
0x70: {  	_ =	shalt  }
0x71: {  	_ =	shalt  }
0x72: {  	_ =	shalt  }
0x73: {  	_ =	shalt  }
0x74: {  	_ =	shalt  }
0x75: {  	_ =	shalt  }
0x76: {  	_ =	shalt  }
0x77: {  	_ =	shalt  }
0x78: {  	_ =	shalt  }
0x79: {  	_ =	shalt  }
0x7a: {  	_ =	shalt  }
0x7b: {  	_ =	shalt  }
0x7c: {  	_ =	shalt  }
0x7d: {  	_ =	shalt  }
0x7e: {  	_ =	shalt  }
0x7f: {  	_ =	shalt  }
0x80: {  	_ =	shalt  }
0x81: {  	_ =	shalt  }
0x82: {  	_ =	shalt  }
0x83: {  	_ =	shalt  }
0x84: {  	_ =	shalt  }
0x85: {  	_ =	shalt  }
0x86: {  	_ =	shalt  }
0x87: {  	_ =	shalt  }
.Lfunc_end0:
.L_simem_size_0:
called_computation_lowered:
.L_overlay_start_0:
0x88: {  	s2 =	sld [smem:$0x3FD9]  }
0x89: {  	s3 =	sld [smem:$0x3FFE];
	_ =	sdelay $0x1  }
0x8a: {  	s1 =	srdreg.scid  }
0x8b: {  	s0 =	sand.u32 $0x1, s1  }
0x8c: {  	s17 =	sshll.u32 s0, $0xA;
	s2 =	sadd.s32 s3, s2  }
0x8d: {  	s2 =	sadd.s32 s2, s17  }
0x8e: {  	[smem:$0x3FB4] =	sst s2  }
0x8f: {  	_ = 	snop  }
0x90: {  	s2 =	sld [smem:$0x3FC9]  }
0x91: {  	s18 =	sld [smem:$0x3FD0];
	(tm) =	ssettm $0x1  }
0x92: {  	s4 =	sld [smem:$0x3FFB];
	_ =	sdelay $0x3  }
0x93: {  	_ =	strace s4  }
0x94: {  	s4 =	sld [smem:$0x3FFC];
	_ =	sdelay $0x3  }
0x95: {  	_ =	strace s4  }
0x96: {  	s4 =	sld [smem:$0x3FFD];
	_ =	sdelay $0x3  }
0x97: {  	_ =	strace s4  }
0x98: {  	_ =	strace $0x8FFFFFFF  }
0x99: {  	s19 =	sld [smem:$0x3FDB];
	_ =	sdelay $0x1  }
0x9a: {  	s5 =	simm.s32 $_scs_section_size  }
0x9b: {  	s6 =	simm.s32 $_size__tile_overlayer_lowered;
	s7 =	simm.s32 $_tile_overlayer_lowered  }
0x9c: {  	s22 =	simm.s32 $0x1BFF;
	s21 =	sshll.u32 s7, $0x1;
	s4 =	sadd.s32 s5, s19  }
0x9d: {  	s8 =	simm.s32 $0x0;
	s20 =	sshll.u32 s6, $0x1;
	s6 =	sadd.s32 s21, s4  }
0x9e: {  	[timem:s8], [sflag:s22] =	dma.local [hbm:s6], s20  }
0x9f: {  	_ =	swait.ge [sflag:s22], s20  }
0xa0: {  	s5 =	ssub.s32 $0x0, s20;
	[sflag:s22] =	ssyncset.done $0x0  }
0xa1: {  	[sflag:s22] =	ssyncadd.s32 s5;
	_ =	sdelay $0x1  }
0xa2: {  	s23 =	simm.s32 $0x1B8B  }
0xa3: {  	_ =	swait.ge [sflag:s23], $0x1  }
0xa4: {  	[sflag:s23] =	ssyncset.done $0x0  }
0xa5: {  	s25 =	simm.s32 $0x1B8E;
	s24 =	sld [smem:$0x3FFE];
	[sflag:s23] =	ssyncadd.s32 $0xFFFFFFFF  }
0xa6: {  	s26 =	simm.s32 $execute0_lowered;
	[smem:$0x3FD2] =	sst s25  }
0xa7: {  	s6 =	sshll.u32 s26, $0x1;
	_ =	strace $0x80000046;
	[dreg:$0x1] =	wrdreg $0xFFFFFFFF  }
0xa8: {  	s28 =	simm.s32 $_size_execute0_lowered;
	s4 =	sadd.s32 s4, s6;
	[dreg:$0x0] =	wrdreg $0x0  }
0xa9: {  	s6 =	sshll.u32 s28, $0x1;
	[dreg:$0x2] =	wrdreg s4  }
0xaa: {  	[dreg:$0x3] =	wrdreg s6  }
0xab: {  	[dreg:$0x4] =	wrdreg $0xC0  }
0xac: {  	_ =	task [dreg:s8], $0x5FFFF  }
0xad: {  	[dreg:$0x1] =	wrdreg $0xFFFFFFFF  }
0xae: {  	[dreg:$0x0] =	wrdreg $0x60  }
0xaf: {  	[dreg:$0x2] =	wrdreg s2  }
0xb0: {  	[dreg:$0x3] =	wrdreg s18  }
0xb1: {  	[dreg:$0x4] =	wrdreg s24  }
0xb2: {  	[dreg:$0x5] =	wrdreg $0x93000  }
0xb3: {  	[dreg:$0x6] =	wrdreg $0x9  }
0xb4: {  	_ =	task.clear_ibuf [dreg:s8], $0x7FFFF;
	_ =	strace $0x90000046  }
0xb5: {  	s29 =	simm.s32 $0x9;
	_ =	strace $0x80000048  }
0xb6: {  	_ =	swait.ge [sflag:s29], $0x1  }
0xb7: {  	[sflag:s29] =	ssyncadd.s32 $0xFFFFFFFF  }
0xb8: {  	_ =	strace $0x90000048  }
0xb9: {  	_ =	sfence  }
0xba: {  	s30 =	sld [smem:$0x0];
	_ =	sdelay $0x2  }
0xbb: {  	s31 =	sshll.u32 s1, $0xD;
	s1 =	sshrl.u32 s1, $0x2  }
0xbc: {  	s3 =	sand.u32 $0x4000, s31;
	s1 =	sadd.s32 s1, s30  }
0xbd: {  	s0 =	sor.u32 s3, s0;
	s1 =	sshll.u32 s1, $0x11  }
0xbe: {  	s0 =	sor.u32 s1, s0  }
0xbf: {  	s0 =	sadd.s32 $0x8F2B, s0  }
0xc0: {  	[sflag:s0] =	ssyncadd.remote.s32 $0x1  }
0xc1: {  	_ =	sfence.sel $0xFFFF  }
0xc2: {  	[dreg:$0x0] =	wrdreg $0xFFFFFFFF;
	(pc) =	sbr.abs _section_cstart, $3  }
0xc3: {  	[dreg:$0x1] =	wrdreg $0xFFFFFFFF  }
0xc4: {  	_ =	task.clear_ibuf [dreg:s8], $0x2FFFF;
	_ =	strace $0x9FFFFFFF  }
0xc5: {  	(tm) =	ssettm $0x7FFFFFFF  }
tec
execute0_lowered:
.L_overlay_start_1:
0x0: {  	(tag) =	ssettag $0x1  }
0x1: {  	s1 =	rddreg [dreg:$0x0]  }
0x2: {  	s2 =	rddreg [dreg:$0x1]  }
0x3: {  	s0 =	rddreg [dreg:$0x2]  }
0x4: {  	s3 =	rddreg [dreg:$0x3];
	s5 =	srdreg.scid  }
0x5: {  	s4 =	simm.s32 $0x0;
	s14 =	stileid.u32;
	s15 =	simm.s32 $0xA  }
0x6: {  	s16 =	simm.s32 $0x100;
	s17 =	simm.s32 $0x200;
	s18 =	simm.s32 $0x1  }
0x7: {  	s19 =	simm.s32 $0x60;
	s20 =	simm.s32 $0x300;
	s21 =	simm.s32 $0x2  }
0x8: {  	s28 =	simm.s32 $0x5;
	s29 =	simm.s32 $0x180;
	s8 =	smul.u32 $0x4F000, s14  }
0x9: {  	s30 =	simm.s32 $0x6;
	s31 =	simm.s32 $0x280;
	s11 =	smul.u32 $0x13C00, s14  }
0xa: {  	s5 =	sand.u32 $0x1, s5;
	[smem:$0x7FF] =	sst s4;
	s13 =	smul.u32 $0x2780, s14  }
0xb: {  	s6 =	sadd.s32 $0x1D800, s0;
	s9 =	sadd.s32 $0x44A00, s0;
	s25 =	smul.u32 $0xD20, s14  }
0xc: {  	s24 =	sshll.u32 s14, $0x6;
	s7 =	smul.u32 $0xD200, s5;
	_ =	strace $0x80000047  }
0xd: {  	[dreg:$0x5] =	wrdreg s9;
	s22 =	ssub.s32 $0x2, s5;
	p0 =	seq.s32 s5, $0x0  }
0xe: {  	s10 =	sshrl.u32 s22, $0x1;
	s8 =	sshrl.u32 s8, $0x2;
	s12 =	sshrl.u32 s11, $0x3  }
0xf: {  	s7 =	sadd.s32 s7, s0;
	s0 =	sadd.s32 $0x47200, s0;
	s9 =	ssub.s32 s22, s10  }
0x10: {  	s23 =	sadd.s32 s8, s3;
	s8 =	sor.u32 $0x1C0A, s24;
	s5 =	sadd.s32 $0x27800, s12  }
0x11: {  	s12 =	simm.s32 $0x278000;
	s22 =	simm.s32 $0x3300;
	s24 =	simm.s32 $0x6300  }
0x12: {  	s10 =	simm.s32 $0x0;
	s5 =	smov.u32 @p0 s13;
	s12 =	simm.s32 @!p0 $0x3B4000  }
0x13: {  	s13 =	simm.s32 $0x4F0000;
	s9 =	smax.u32 s9, $0x1;
	s7 =	sadd.s32 s25, s7  }
0x14: {  	s14 =	sshrl.u32 s23, $0x3;
	s23 =	simm.s32 $0x3;
	[dreg:$0x6] =	wrdreg s8  }
0x15: {  	s25 =	simm.s32 $0x4;
	[dreg:$0x7] =	wrdreg s9;
	s13 =	simm.s32 @!p0 $0x62C000  }
0x16: {  	s5 =	sadd.s32 s0, s5;
	s26 =	sadd.s32 s12, s11;
	s9 =	simm.s32 $0x9  }
0x17: {  	[dreg:$0x8] =	wrdreg s5;
	s11 =	sadd.s32 s13, s11;
	s5 =	sshrl.u32 s26, $0x3  }
0x18: {  	s13 =	sadd.s32 $0x3400, s7;
	s11 =	sshrl.u32 s11, $0x3;
	s5 =	sadd.s32 s0, s5  }
0x19: {  	s26 =	simm.s32 $0x80;
	[dreg:$0x9] =	wrdreg s5;
	s0 =	sadd.s32 s0, s11  }
0x1a: {  	s5 =	simm.s32 $0x8;
	[dreg:$0xa] =	wrdreg s0;
	s0 =	simm.s32 $0x7  }
.LBB2_1:
0x1b: {  	s7 =	rddreg [dreg:$0x5]  }
0x1c: {  	[spmem:s14], [sflag:s8] =	dma.local [hbm:s7], $0x2780  }
0x1d: {  	_ =	swait.ge [sflag:s15], $0x2780  }
0x1e: {  	[sflag:s15] =	ssyncset.done $0x0  }
0x1f: {  	[sflag:s15] =	ssyncadd.s32 $0xFFFFD880  }
0x20: {  	s12 =	sadd.s32 $0x0, s13;
	[bflag:$0x0] =	sbarrier.arrive $0xFFFF  }
0x21: {  	[tilespmem:s4], [sflag:$0x1] =	stream.linear.gather [hbm4b:s12+s4], $0x100, $0x38;
	[tilespmem:$0x1CF00] =	vst v63  }
0x22: {  	s11 =	sadd.s32 $0x20, s12  }
0x23: {  	[tilespmem:s16], [sflag:$0x2] =	stream.linear.gather [hbm4b:s11+s4], $0x100, $0x38;
	[tilespmem:$0x1CF00] =	vst v63  }
0x24: {  	s7 =	sadd.s32 $0x40, s12  }
0x25: {  	[tilespmem:s17], [sflag:$0x3] =	stream.linear.gather [hbm4b:s7+s4], $0x100, $0x38;
	[tilespmem:$0x1CF00] =	vst v63  }
0x26: {  	_ =	swait.ge [sflag:s18], $0x100  }
0x27: {  	[sflag:s18] =	ssyncset.done $0x0  }
0x28: {  	[sflag:s18] =	ssyncadd.s32 $0xFFFFFF00  }
0x29: {  	[tilespmem:s20], [sflag:$0x4] =	stream.indirect.gather [hbm4b:s1+s19], $0x80, s4, s19, $0xb8;
	[tilespmem:$0x1CF00] =	vst v63  }
0x2a: {  	_ =	swait.ge [sflag:s21], $0x100  }
0x2b: {  	[sflag:s21] =	ssyncset.done $0x0  }
0x2c: {  	[sflag:s21] =	ssyncadd.s32 $0xFFFFFF00  }
0x2d: {  	[tilespmem:s22], [sflag:$0x5] =	stream.indirect.gather [hbm4b:s1+s19], $0x80, s16, s19, $0xb8;
	[tilespmem:$0x1CF00] =	vst v63  }
0x2e: {  	_ =	swait.ge [sflag:s23], $0x100  }
0x2f: {  	[sflag:s23] =	ssyncset.done $0x0  }
0x30: {  	[sflag:s23] =	ssyncadd.s32 $0xFFFFFF00  }
0x31: {  	[tilespmem:s24], [sflag:$0x6] =	stream.indirect.gather [hbm4b:s1+s19], $0x80, s17, s19, $0xb8;
	[tilespmem:$0x1CF00] =	vst v63  }
0x32: {  	_ =	swait.ge [sflag:s25], $0x3000  }
0x33: {  	[sflag:s25] =	ssyncset.done $0x0  }
0x34: {  	[sflag:s25] =	ssyncadd.s32 $0xFFFFD000  }
0x35: {  	[spmem:s3] =	stream.indirect.scatter.add.f32 [tilespmem:s20], [sflag:$0x7], $0x80, s26, s19, $0xb8;
	[tilespmem:$0x1CF00] =	vst v63  }
0x36: {  	_ =	swait.ge [sflag:s28], $0x3000  }
0x37: {  	[sflag:s28] =	ssyncset.done $0x0  }
0x38: {  	[sflag:s28] =	ssyncadd.s32 $0xFFFFD000  }
0x39: {  	[spmem:s3] =	stream.indirect.scatter.add.f32 [tilespmem:s22], [sflag:$0x8], $0x80, s29, s19, $0xb8;
	[tilespmem:$0x1CF00] =	vst v63  }
0x3a: {  	_ =	swait.ge [sflag:s30], $0x3000  }
0x3b: {  	[sflag:s30] =	ssyncset.done $0x0  }
0x3c: {  	[sflag:s30] =	ssyncadd.s32 $0xFFFFD000  }
0x3d: {  	[spmem:s3] =	stream.indirect.scatter.add.f32 [tilespmem:s24], [sflag:$0x9], $0x80, s31, s19, $0xb8;
	[tilespmem:$0x1CF00] =	vst v63  }
0x3e: {  	_ =	swait.ge [sflag:s0], $0x3000  }
0x3f: {  	[sflag:s0] =	ssyncset.done $0x0  }
0x40: {  	[sflag:s0] =	ssyncadd.s32 $0xFFFFD000  }
0x41: {  	_ =	swait.ge [sflag:s5], $0x3000  }
0x42: {  	[sflag:s5] =	ssyncset.done $0x0  }
0x43: {  	[sflag:s5] =	ssyncadd.s32 $0xFFFFD000  }
0x44: {  	_ =	swait.ge [sflag:s9], $0x3000  }
0x45: {  	s12 =	simm.s32 $0xC0;
	s11 =	simm.s32 $0x60;
	[sflag:s9] =	ssyncset.done $0x0  }
.LBB2_2:
0x46: {  	s8 =	sadd.s32 s11, s13  }
0x47: {  	[sflag:s9] =	ssyncadd.s32 $0xFFFFD000;
	s11 =	smov.u32 s12;
	s7 =	sadd.s32 $0x60, s12  }
0x48: {  	[tilespmem:s4], [sflag:$0x1] =	stream.linear.gather [hbm4b:s8+s4], $0x100, $0x38;
	[tilespmem:$0x1CF00] =	vst v63  }
0x49: {  	p0 =	sne.s32 s12, $0xCC0;
	s12 =	sadd.s32 $0x20, s8  }
0x4a: {  	[tilespmem:s16], [sflag:$0x2] =	stream.linear.gather [hbm4b:s12+s4], $0x100, $0x38;
	[tilespmem:$0x1CF00] =	vst v63  }
0x4b: {  	s8 =	sadd.s32 $0x40, s8  }
0x4c: {  	[tilespmem:s17], [sflag:$0x3] =	stream.linear.gather [hbm4b:s8+s4], $0x100, $0x38;
	[tilespmem:$0x1CF00] =	vst v63  }
0x4d: {  	_ =	swait.ge [sflag:s18], $0x100  }
0x4e: {  	[sflag:s18] =	ssyncset.done $0x0  }
0x4f: {  	[sflag:s18] =	ssyncadd.s32 $0xFFFFFF00  }
0x50: {  	[tilespmem:s20], [sflag:$0x4] =	stream.indirect.gather [hbm4b:s1+s19], $0x80, s4, s19, $0xb8;
	[tilespmem:$0x1CF00] =	vst v63  }
0x51: {  	_ =	swait.ge [sflag:s21], $0x100  }
0x52: {  	[sflag:s21] =	ssyncset.done $0x0  }
0x53: {  	[sflag:s21] =	ssyncadd.s32 $0xFFFFFF00  }
0x54: {  	[tilespmem:s22], [sflag:$0x5] =	stream.indirect.gather [hbm4b:s1+s19], $0x80, s16, s19, $0xb8;
	[tilespmem:$0x1CF00] =	vst v63  }
0x55: {  	_ =	swait.ge [sflag:s23], $0x100  }
0x56: {  	[sflag:s23] =	ssyncset.done $0x0  }
0x57: {  	[sflag:s23] =	ssyncadd.s32 $0xFFFFFF00  }
0x58: {  	[tilespmem:s24], [sflag:$0x6] =	stream.indirect.gather [hbm4b:s1+s19], $0x80, s17, s19, $0xb8;
	[tilespmem:$0x1CF00] =	vst v63  }
0x59: {  	_ =	swait.ge [sflag:s25], $0x3000  }
0x5a: {  	[sflag:s25] =	ssyncset.done $0x0  }
0x5b: {  	[sflag:s25] =	ssyncadd.s32 $0xFFFFD000  }
0x5c: {  	[spmem:s3] =	stream.indirect.scatter.add.f32 [tilespmem:s20], [sflag:$0x7], $0x80, s26, s19, $0xb8;
	[tilespmem:$0x1CF00] =	vst v63  }
0x5d: {  	_ =	swait.ge [sflag:s28], $0x3000  }
0x5e: {  	[sflag:s28] =	ssyncset.done $0x0  }
0x5f: {  	[sflag:s28] =	ssyncadd.s32 $0xFFFFD000  }
0x60: {  	[spmem:s3] =	stream.indirect.scatter.add.f32 [tilespmem:s22], [sflag:$0x8], $0x80, s29, s19, $0xb8;
	[tilespmem:$0x1CF00] =	vst v63  }
0x61: {  	_ =	swait.ge [sflag:s30], $0x3000  }
0x62: {  	[sflag:s30] =	ssyncset.done $0x0  }
0x63: {  	[sflag:s30] =	ssyncadd.s32 $0xFFFFD000  }
0x64: {  	[spmem:s3] =	stream.indirect.scatter.add.f32 [tilespmem:s24], [sflag:$0x9], $0x80, s31, s19, $0xb8;
	[tilespmem:$0x1CF00] =	vst v63  }
0x65: {  	_ =	swait.ge [sflag:s0], $0x3000  }
0x66: {  	[sflag:s0] =	ssyncset.done $0x0  }
0x67: {  	[sflag:s0] =	ssyncadd.s32 $0xFFFFD000  }
.Ltmp0:
0x68: {  	_ =	swait.ge [sflag:s5], $0x3000;
	(pc) =	sbr.rel @p0 .LBB2_2-.Ltmp0, $4  }
0x69: {  	[sflag:s5] =	ssyncset.done $0x0  }
0x6a: {  	[sflag:s5] =	ssyncadd.s32 $0xFFFFD000  }
0x6b: {  	_ =	swait.ge [sflag:s9], $0x3000  }
0x6c: {  	s12 =	smov.u32 s7;
	[sflag:s9] =	ssyncset.done $0x0  }
0x6d: {  	s7 =	sadd.s32 s11, s13;
	[sflag:s9] =	ssyncadd.s32 $0xFFFFD000  }
0x6e: {  	[tilespmem:s4], [sflag:$0x1] =	stream.linear.gather [hbm4b:s7+s4], $0x100, $0x38;
	[tilespmem:$0x1CF00] =	vst v63  }
0x6f: {  	s8 =	sadd.s32 $0x20, s7  }
0x70: {  	[tilespmem:s16], [sflag:$0x2] =	stream.linear.gather [hbm4b:s8+s4], $0x100, $0x38;
	[tilespmem:$0x1CF00] =	vst v63  }
0x71: {  	s7 =	sadd.s32 $0x40, s7  }
0x72: {  	[tilespmem:s17], [sflag:$0x3] =	stream.linear.gather [hbm4b:s7+s4], $0x100, $0x38;
	[tilespmem:$0x1CF00] =	vst v63  }
0x73: {  	_ =	swait.ge [sflag:s18], $0x100  }
0x74: {  	[sflag:s18] =	ssyncset.done $0x0  }
0x75: {  	[sflag:s18] =	ssyncadd.s32 $0xFFFFFF00  }
0x76: {  	[tilespmem:s20], [sflag:$0x4] =	stream.indirect.gather [hbm4b:s1+s19], $0x80, s4, s19, $0xb8;
	[tilespmem:$0x1CF00] =	vst v63  }
0x77: {  	_ =	swait.ge [sflag:s21], $0x100  }
0x78: {  	[sflag:s21] =	ssyncset.done $0x0  }
0x79: {  	[sflag:s21] =	ssyncadd.s32 $0xFFFFFF00  }
0x7a: {  	[tilespmem:s22], [sflag:$0x5] =	stream.indirect.gather [hbm4b:s1+s19], $0x80, s16, s19, $0xb8;
	[tilespmem:$0x1CF00] =	vst v63  }
0x7b: {  	_ =	swait.ge [sflag:s23], $0x100  }
0x7c: {  	[sflag:s23] =	ssyncset.done $0x0  }
0x7d: {  	[sflag:s23] =	ssyncadd.s32 $0xFFFFFF00  }
0x7e: {  	[tilespmem:s24], [sflag:$0x6] =	stream.indirect.gather [hbm4b:s1+s19], $0x80, s17, s19, $0xb8;
	[tilespmem:$0x1CF00] =	vst v63  }
0x7f: {  	_ =	swait.ge [sflag:s25], $0x3000  }
0x80: {  	[sflag:s25] =	ssyncset.done $0x0  }
0x81: {  	[sflag:s25] =	ssyncadd.s32 $0xFFFFD000  }
0x82: {  	[spmem:s3] =	stream.indirect.scatter.add.f32 [tilespmem:s20], [sflag:$0x7], $0x80, s26, s19, $0xb8;
	[tilespmem:$0x1CF00] =	vst v63  }
0x83: {  	_ =	swait.ge [sflag:s28], $0x3000  }
0x84: {  	[sflag:s28] =	ssyncset.done $0x0  }
0x85: {  	[sflag:s28] =	ssyncadd.s32 $0xFFFFD000  }
0x86: {  	[spmem:s3] =	stream.indirect.scatter.add.f32 [tilespmem:s22], [sflag:$0x8], $0x80, s29, s19, $0xb8;
	[tilespmem:$0x1CF00] =	vst v63  }
0x87: {  	_ =	swait.ge [sflag:s30], $0x3000  }
0x88: {  	[sflag:s30] =	ssyncset.done $0x0  }
0x89: {  	[sflag:s30] =	ssyncadd.s32 $0xFFFFD000  }
0x8a: {  	[spmem:s3] =	stream.indirect.scatter.add.f32 [tilespmem:s24], [sflag:$0x9], $0x80, s31, s19, $0xb8;
	[tilespmem:$0x1CF00] =	vst v63  }
0x8b: {  	_ =	swait.ge [sflag:s0], $0x3000  }
0x8c: {  	[sflag:s0] =	ssyncset.done $0x0  }
0x8d: {  	[sflag:s0] =	ssyncadd.s32 $0xFFFFD000  }
0x8e: {  	_ =	swait.ge [sflag:s5], $0x3000  }
0x8f: {  	[sflag:s5] =	ssyncset.done $0x0  }
0x90: {  	[sflag:s5] =	ssyncadd.s32 $0xFFFFD000  }
0x91: {  	_ =	swait.ge [sflag:s9], $0x3000  }
0x92: {  	[sflag:s9] =	ssyncset.done $0x0  }
0x93: {  	[sflag:s9] =	ssyncadd.s32 $0xFFFFD000  }
0x94: {  	[bflag:$0x0] =	sbarrier.arrive $0xFFFF  }
0x95: {  	s8 =	rddreg [dreg:$0x6]  }
0x96: {  	s11 =	rddreg [dreg:$0x8]  }
0x97: {  	[hbm:s11], [sflag:s8] =	dma.local [spmem:s14], $0x2780  }
0x98: {  	_ =	swait.ge [sflag:s15], $0x2780  }
0x99: {  	[sflag:s15] =	ssyncset.done $0x0  }
0x9a: {  	[sflag:s15] =	ssyncadd.s32 $0xFFFFD880  }
0x9b: {  	[bflag:$0x0] =	sbarrier.arrive $0xFFFF  }
0x9c: {  	s12 =	rddreg [dreg:$0x5]  }
0x9d: {  	[spmem:s14], [sflag:s8] =	dma.local [hbm:s12], $0x2780  }
0x9e: {  	_ =	swait.ge [sflag:s15], $0x2780  }
0x9f: {  	[sflag:s15] =	ssyncset.done $0x0  }
0xa0: {  	[sflag:s15] =	ssyncadd.s32 $0xFFFFD880  }
0xa1: {  	s11 =	sadd.s32 $0x0, s13;
	[bflag:$0x0] =	sbarrier.arrive $0xFFFF  }
0xa2: {  	[tilespmem:s4], [sflag:$0x1] =	stream.linear.gather [hbm4b:s11+s4], $0x100, $0x38;
	[tilespmem:$0x1CF00] =	vst v63  }
0xa3: {  	s12 =	sadd.s32 $0x20, s11  }
0xa4: {  	[tilespmem:s16], [sflag:$0x2] =	stream.linear.gather [hbm4b:s12+s4], $0x100, $0x38;
	[tilespmem:$0x1CF00] =	vst v63  }
0xa5: {  	s7 =	sadd.s32 $0x40, s11  }
0xa6: {  	[tilespmem:s17], [sflag:$0x3] =	stream.linear.gather [hbm4b:s7+s4], $0x100, $0x38;
	[tilespmem:$0x1CF00] =	vst v63  }
0xa7: {  	_ =	swait.ge [sflag:s18], $0x100  }
0xa8: {  	[sflag:s18] =	ssyncset.done $0x0  }
0xa9: {  	[sflag:s18] =	ssyncadd.s32 $0xFFFFFF00  }
0xaa: {  	[tilespmem:s20], [sflag:$0x4] =	stream.indirect.gather [hbm4b:s2+s19], $0x80, s4, s19, $0xb8;
	[tilespmem:$0x1CF00] =	vst v63  }
0xab: {  	_ =	swait.ge [sflag:s21], $0x100  }
0xac: {  	[sflag:s21] =	ssyncset.done $0x0  }
0xad: {  	[sflag:s21] =	ssyncadd.s32 $0xFFFFFF00  }
0xae: {  	[tilespmem:s22], [sflag:$0x5] =	stream.indirect.gather [hbm4b:s2+s19], $0x80, s16, s19, $0xb8;
	[tilespmem:$0x1CF00] =	vst v63  }
0xaf: {  	_ =	swait.ge [sflag:s23], $0x100  }
0xb0: {  	[sflag:s23] =	ssyncset.done $0x0  }
0xb1: {  	[sflag:s23] =	ssyncadd.s32 $0xFFFFFF00  }
0xb2: {  	[tilespmem:s24], [sflag:$0x6] =	stream.indirect.gather [hbm4b:s2+s19], $0x80, s17, s19, $0xb8;
	[tilespmem:$0x1CF00] =	vst v63  }
0xb3: {  	_ =	swait.ge [sflag:s25], $0x3000  }
0xb4: {  	[sflag:s25] =	ssyncset.done $0x0  }
0xb5: {  	[sflag:s25] =	ssyncadd.s32 $0xFFFFD000  }
0xb6: {  	[spmem:s3] =	stream.indirect.scatter.add.f32 [tilespmem:s20], [sflag:$0x7], $0x80, s26, s19, $0xb8;
	[tilespmem:$0x1CF00] =	vst v63  }
0xb7: {  	_ =	swait.ge [sflag:s28], $0x3000  }
0xb8: {  	[sflag:s28] =	ssyncset.done $0x0  }
0xb9: {  	[sflag:s28] =	ssyncadd.s32 $0xFFFFD000  }
0xba: {  	[spmem:s3] =	stream.indirect.scatter.add.f32 [tilespmem:s22], [sflag:$0x8], $0x80, s29, s19, $0xb8;
	[tilespmem:$0x1CF00] =	vst v63  }
0xbb: {  	_ =	swait.ge [sflag:s30], $0x3000  }
0xbc: {  	[sflag:s30] =	ssyncset.done $0x0  }
0xbd: {  	[sflag:s30] =	ssyncadd.s32 $0xFFFFD000  }
0xbe: {  	[spmem:s3] =	stream.indirect.scatter.add.f32 [tilespmem:s24], [sflag:$0x9], $0x80, s31, s19, $0xb8;
	[tilespmem:$0x1CF00] =	vst v63  }
0xbf: {  	_ =	swait.ge [sflag:s0], $0x3000  }
0xc0: {  	[sflag:s0] =	ssyncset.done $0x0  }
0xc1: {  	[sflag:s0] =	ssyncadd.s32 $0xFFFFD000  }
0xc2: {  	_ =	swait.ge [sflag:s5], $0x3000  }
0xc3: {  	[sflag:s5] =	ssyncset.done $0x0  }
0xc4: {  	[sflag:s5] =	ssyncadd.s32 $0xFFFFD000  }
0xc5: {  	_ =	swait.ge [sflag:s9], $0x3000  }
0xc6: {  	s11 =	simm.s32 $0x60;
	s7 =	simm.s32 $0xC0;
	[sflag:s9] =	ssyncset.done $0x0  }
.LBB2_4:
0xc7: {  	s8 =	sadd.s32 s11, s13  }
0xc8: {  	[sflag:s9] =	ssyncadd.s32 $0xFFFFD000;
	s11 =	smov.u32 s7;
	s12 =	sadd.s32 $0x60, s7  }
0xc9: {  	[tilespmem:s4], [sflag:$0x1] =	stream.linear.gather [hbm4b:s8+s4], $0x100, $0x38;
	[tilespmem:$0x1CF00] =	vst v63  }
0xca: {  	p0 =	sne.s32 s7, $0xCC0;
	s7 =	sadd.s32 $0x20, s8  }
0xcb: {  	[tilespmem:s16], [sflag:$0x2] =	stream.linear.gather [hbm4b:s7+s4], $0x100, $0x38;
	[tilespmem:$0x1CF00] =	vst v63  }
0xcc: {  	s7 =	sadd.s32 $0x40, s8  }
0xcd: {  	[tilespmem:s17], [sflag:$0x3] =	stream.linear.gather [hbm4b:s7+s4], $0x100, $0x38;
	[tilespmem:$0x1CF00] =	vst v63  }
0xce: {  	_ =	swait.ge [sflag:s18], $0x100  }
0xcf: {  	[sflag:s18] =	ssyncset.done $0x0  }
0xd0: {  	[sflag:s18] =	ssyncadd.s32 $0xFFFFFF00  }
0xd1: {  	[tilespmem:s20], [sflag:$0x4] =	stream.indirect.gather [hbm4b:s2+s19], $0x80, s4, s19, $0xb8;
	[tilespmem:$0x1CF00] =	vst v63  }
0xd2: {  	_ =	swait.ge [sflag:s21], $0x100  }
0xd3: {  	[sflag:s21] =	ssyncset.done $0x0  }
0xd4: {  	[sflag:s21] =	ssyncadd.s32 $0xFFFFFF00  }
0xd5: {  	[tilespmem:s22], [sflag:$0x5] =	stream.indirect.gather [hbm4b:s2+s19], $0x80, s16, s19, $0xb8;
	[tilespmem:$0x1CF00] =	vst v63  }
0xd6: {  	_ =	swait.ge [sflag:s23], $0x100  }
0xd7: {  	[sflag:s23] =	ssyncset.done $0x0  }
0xd8: {  	[sflag:s23] =	ssyncadd.s32 $0xFFFFFF00  }
0xd9: {  	[tilespmem:s24], [sflag:$0x6] =	stream.indirect.gather [hbm4b:s2+s19], $0x80, s17, s19, $0xb8;
	[tilespmem:$0x1CF00] =	vst v63  }
0xda: {  	_ =	swait.ge [sflag:s25], $0x3000  }
0xdb: {  	[sflag:s25] =	ssyncset.done $0x0  }
0xdc: {  	[sflag:s25] =	ssyncadd.s32 $0xFFFFD000  }
0xdd: {  	[spmem:s3] =	stream.indirect.scatter.add.f32 [tilespmem:s20], [sflag:$0x7], $0x80, s26, s19, $0xb8;
	[tilespmem:$0x1CF00] =	vst v63  }
0xde: {  	_ =	swait.ge [sflag:s28], $0x3000  }
0xdf: {  	[sflag:s28] =	ssyncset.done $0x0  }
0xe0: {  	[sflag:s28] =	ssyncadd.s32 $0xFFFFD000  }
0xe1: {  	[spmem:s3] =	stream.indirect.scatter.add.f32 [tilespmem:s22], [sflag:$0x8], $0x80, s29, s19, $0xb8;
	[tilespmem:$0x1CF00] =	vst v63  }
0xe2: {  	_ =	swait.ge [sflag:s30], $0x3000  }
0xe3: {  	[sflag:s30] =	ssyncset.done $0x0  }
0xe4: {  	[sflag:s30] =	ssyncadd.s32 $0xFFFFD000  }
0xe5: {  	[spmem:s3] =	stream.indirect.scatter.add.f32 [tilespmem:s24], [sflag:$0x9], $0x80, s31, s19, $0xb8;
	[tilespmem:$0x1CF00] =	vst v63  }
0xe6: {  	_ =	swait.ge [sflag:s0], $0x3000  }
0xe7: {  	[sflag:s0] =	ssyncset.done $0x0  }
0xe8: {  	[sflag:s0] =	ssyncadd.s32 $0xFFFFD000  }
.Ltmp1:
0xe9: {  	_ =	swait.ge [sflag:s5], $0x3000;
	(pc) =	sbr.rel @p0 .LBB2_4-.Ltmp1, $4  }
0xea: {  	[sflag:s5] =	ssyncset.done $0x0  }
0xeb: {  	[sflag:s5] =	ssyncadd.s32 $0xFFFFD000  }
0xec: {  	_ =	swait.ge [sflag:s9], $0x3000  }
0xed: {  	s7 =	smov.u32 s12;
	[sflag:s9] =	ssyncset.done $0x0  }
0xee: {  	s7 =	sadd.s32 s11, s13;
	[sflag:s9] =	ssyncadd.s32 $0xFFFFD000  }
0xef: {  	[tilespmem:s4], [sflag:$0x1] =	stream.linear.gather [hbm4b:s7+s4], $0x100, $0x38;
	[tilespmem:$0x1CF00] =	vst v63  }
0xf0: {  	s8 =	sadd.s32 $0x20, s7  }
0xf1: {  	[tilespmem:s16], [sflag:$0x2] =	stream.linear.gather [hbm4b:s8+s4], $0x100, $0x38;
	[tilespmem:$0x1CF00] =	vst v63  }
0xf2: {  	s7 =	sadd.s32 $0x40, s7  }
0xf3: {  	[tilespmem:s17], [sflag:$0x3] =	stream.linear.gather [hbm4b:s7+s4], $0x100, $0x38;
	[tilespmem:$0x1CF00] =	vst v63  }
0xf4: {  	_ =	swait.ge [sflag:s18], $0x100  }
0xf5: {  	[sflag:s18] =	ssyncset.done $0x0  }
0xf6: {  	[sflag:s18] =	ssyncadd.s32 $0xFFFFFF00  }
0xf7: {  	[tilespmem:s20], [sflag:$0x4] =	stream.indirect.gather [hbm4b:s2+s19], $0x80, s4, s19, $0xb8;
	[tilespmem:$0x1CF00] =	vst v63  }
0xf8: {  	_ =	swait.ge [sflag:s21], $0x100  }
0xf9: {  	[sflag:s21] =	ssyncset.done $0x0  }
0xfa: {  	[sflag:s21] =	ssyncadd.s32 $0xFFFFFF00  }
0xfb: {  	[tilespmem:s22], [sflag:$0x5] =	stream.indirect.gather [hbm4b:s2+s19], $0x80, s16, s19, $0xb8;
	[tilespmem:$0x1CF00] =	vst v63  }
0xfc: {  	_ =	swait.ge [sflag:s23], $0x100  }
0xfd: {  	[sflag:s23] =	ssyncset.done $0x0  }
0xfe: {  	[sflag:s23] =	ssyncadd.s32 $0xFFFFFF00  }
0xff: {  	[tilespmem:s24], [sflag:$0x6] =	stream.indirect.gather [hbm4b:s2+s19], $0x80, s17, s19, $0xb8;
	[tilespmem:$0x1CF00] =	vst v63  }
0x100: {  	_ =	swait.ge [sflag:s25], $0x3000  }
0x101: {  	[sflag:s25] =	ssyncset.done $0x0  }
0x102: {  	[sflag:s25] =	ssyncadd.s32 $0xFFFFD000  }
0x103: {  	[spmem:s3] =	stream.indirect.scatter.add.f32 [tilespmem:s20], [sflag:$0x7], $0x80, s26, s19, $0xb8;
	[tilespmem:$0x1CF00] =	vst v63  }
0x104: {  	_ =	swait.ge [sflag:s28], $0x3000  }
0x105: {  	[sflag:s28] =	ssyncset.done $0x0  }
0x106: {  	[sflag:s28] =	ssyncadd.s32 $0xFFFFD000  }
0x107: {  	[spmem:s3] =	stream.indirect.scatter.add.f32 [tilespmem:s22], [sflag:$0x8], $0x80, s29, s19, $0xb8;
	[tilespmem:$0x1CF00] =	vst v63  }
0x108: {  	_ =	swait.ge [sflag:s30], $0x3000  }
0x109: {  	[sflag:s30] =	ssyncset.done $0x0  }
0x10a: {  	[sflag:s30] =	ssyncadd.s32 $0xFFFFD000  }
0x10b: {  	[spmem:s3] =	stream.indirect.scatter.add.f32 [tilespmem:s24], [sflag:$0x9], $0x80, s31, s19, $0xb8;
	[tilespmem:$0x1CF00] =	vst v63  }
0x10c: {  	_ =	swait.ge [sflag:s0], $0x3000  }
0x10d: {  	[sflag:s0] =	ssyncset.done $0x0  }
0x10e: {  	[sflag:s0] =	ssyncadd.s32 $0xFFFFD000  }
0x10f: {  	_ =	swait.ge [sflag:s5], $0x3000  }
0x110: {  	[sflag:s5] =	ssyncset.done $0x0  }
0x111: {  	[sflag:s5] =	ssyncadd.s32 $0xFFFFD000  }
0x112: {  	_ =	swait.ge [sflag:s9], $0x3000  }
0x113: {  	[sflag:s9] =	ssyncset.done $0x0  }
0x114: {  	[sflag:s9] =	ssyncadd.s32 $0xFFFFD000  }
0x115: {  	[bflag:$0x0] =	sbarrier.arrive $0xFFFF  }
0x116: {  	s8 =	rddreg [dreg:$0x6]  }
0x117: {  	s11 =	rddreg [dreg:$0x9]  }
0x118: {  	[hbm:s11], [sflag:s8] =	dma.local [spmem:s14], $0x2780  }
0x119: {  	_ =	swait.ge [sflag:s15], $0x2780  }
0x11a: {  	[sflag:s15] =	ssyncset.done $0x0  }
0x11b: {  	[sflag:s15] =	ssyncadd.s32 $0xFFFFD880  }
0x11c: {  	[bflag:$0x0] =	sbarrier.arrive $0xFFFF  }
0x11d: {  	s12 =	rddreg [dreg:$0x5]  }
0x11e: {  	[spmem:s14], [sflag:s8] =	dma.local [hbm:s12], $0x2780  }
0x11f: {  	_ =	swait.ge [sflag:s15], $0x2780  }
0x120: {  	[sflag:s15] =	ssyncset.done $0x0  }
0x121: {  	[sflag:s15] =	ssyncadd.s32 $0xFFFFD880  }
0x122: {  	s11 =	sadd.s32 $0x0, s13;
	[bflag:$0x0] =	sbarrier.arrive $0xFFFF  }
0x123: {  	[tilespmem:s4], [sflag:$0x1] =	stream.linear.gather [hbm4b:s11+s4], $0x100, $0x38;
	[tilespmem:$0x1CF00] =	vst v63  }
0x124: {  	s12 =	sadd.s32 $0x20, s11  }
0x125: {  	[tilespmem:s16], [sflag:$0x2] =	stream.linear.gather [hbm4b:s12+s4], $0x100, $0x38;
	[tilespmem:$0x1CF00] =	vst v63  }
0x126: {  	s7 =	sadd.s32 $0x40, s11  }
0x127: {  	[tilespmem:s17], [sflag:$0x3] =	stream.linear.gather [hbm4b:s7+s4], $0x100, $0x38;
	[tilespmem:$0x1CF00] =	vst v63  }
0x128: {  	_ =	swait.ge [sflag:s18], $0x100  }
0x129: {  	[sflag:s18] =	ssyncset.done $0x0  }
0x12a: {  	[sflag:s18] =	ssyncadd.s32 $0xFFFFFF00  }
0x12b: {  	[tilespmem:s20], [sflag:$0x4] =	stream.indirect.gather [hbm4b:s6+s19], $0x80, s4, s19, $0xb8;
	[tilespmem:$0x1CF00] =	vst v63  }
0x12c: {  	_ =	swait.ge [sflag:s21], $0x100  }
0x12d: {  	[sflag:s21] =	ssyncset.done $0x0  }
0x12e: {  	[sflag:s21] =	ssyncadd.s32 $0xFFFFFF00  }
0x12f: {  	[tilespmem:s22], [sflag:$0x5] =	stream.indirect.gather [hbm4b:s6+s19], $0x80, s16, s19, $0xb8;
	[tilespmem:$0x1CF00] =	vst v63  }
0x130: {  	_ =	swait.ge [sflag:s23], $0x100  }
0x131: {  	[sflag:s23] =	ssyncset.done $0x0  }
0x132: {  	[sflag:s23] =	ssyncadd.s32 $0xFFFFFF00  }
0x133: {  	[tilespmem:s24], [sflag:$0x6] =	stream.indirect.gather [hbm4b:s6+s19], $0x80, s17, s19, $0xb8;
	[tilespmem:$0x1CF00] =	vst v63  }
0x134: {  	_ =	swait.ge [sflag:s25], $0x3000  }
0x135: {  	[sflag:s25] =	ssyncset.done $0x0  }
0x136: {  	[sflag:s25] =	ssyncadd.s32 $0xFFFFD000  }
0x137: {  	[spmem:s3] =	stream.indirect.scatter.add.f32 [tilespmem:s20], [sflag:$0x7], $0x80, s26, s19, $0xb8;
	[tilespmem:$0x1CF00] =	vst v63  }
0x138: {  	_ =	swait.ge [sflag:s28], $0x3000  }
0x139: {  	[sflag:s28] =	ssyncset.done $0x0  }
0x13a: {  	[sflag:s28] =	ssyncadd.s32 $0xFFFFD000  }
0x13b: {  	[spmem:s3] =	stream.indirect.scatter.add.f32 [tilespmem:s22], [sflag:$0x8], $0x80, s29, s19, $0xb8;
	[tilespmem:$0x1CF00] =	vst v63  }
0x13c: {  	_ =	swait.ge [sflag:s30], $0x3000  }
0x13d: {  	[sflag:s30] =	ssyncset.done $0x0  }
0x13e: {  	[sflag:s30] =	ssyncadd.s32 $0xFFFFD000  }
0x13f: {  	[spmem:s3] =	stream.indirect.scatter.add.f32 [tilespmem:s24], [sflag:$0x9], $0x80, s31, s19, $0xb8;
	[tilespmem:$0x1CF00] =	vst v63  }
0x140: {  	_ =	swait.ge [sflag:s0], $0x3000  }
0x141: {  	[sflag:s0] =	ssyncset.done $0x0  }
0x142: {  	[sflag:s0] =	ssyncadd.s32 $0xFFFFD000  }
0x143: {  	_ =	swait.ge [sflag:s5], $0x3000  }
0x144: {  	[sflag:s5] =	ssyncset.done $0x0  }
0x145: {  	[sflag:s5] =	ssyncadd.s32 $0xFFFFD000  }
0x146: {  	_ =	swait.ge [sflag:s9], $0x3000  }
0x147: {  	s11 =	simm.s32 $0x60;
	s7 =	simm.s32 $0xC0;
	[sflag:s9] =	ssyncset.done $0x0  }
.LBB2_6:
0x148: {  	s8 =	sadd.s32 s11, s13  }
0x149: {  	[sflag:s9] =	ssyncadd.s32 $0xFFFFD000;
	s11 =	smov.u32 s7;
	s12 =	sadd.s32 $0x60, s7  }
0x14a: {  	[tilespmem:s4], [sflag:$0x1] =	stream.linear.gather [hbm4b:s8+s4], $0x100, $0x38;
	[tilespmem:$0x1CF00] =	vst v63  }
0x14b: {  	p0 =	sne.s32 s7, $0xCC0;
	s7 =	sadd.s32 $0x20, s8  }
0x14c: {  	[tilespmem:s16], [sflag:$0x2] =	stream.linear.gather [hbm4b:s7+s4], $0x100, $0x38;
	[tilespmem:$0x1CF00] =	vst v63  }
0x14d: {  	s7 =	sadd.s32 $0x40, s8  }
0x14e: {  	[tilespmem:s17], [sflag:$0x3] =	stream.linear.gather [hbm4b:s7+s4], $0x100, $0x38;
	[tilespmem:$0x1CF00] =	vst v63  }
0x14f: {  	_ =	swait.ge [sflag:s18], $0x100  }
0x150: {  	[sflag:s18] =	ssyncset.done $0x0  }
0x151: {  	[sflag:s18] =	ssyncadd.s32 $0xFFFFFF00  }
0x152: {  	[tilespmem:s20], [sflag:$0x4] =	stream.indirect.gather [hbm4b:s6+s19], $0x80, s4, s19, $0xb8;
	[tilespmem:$0x1CF00] =	vst v63  }
0x153: {  	_ =	swait.ge [sflag:s21], $0x100  }
0x154: {  	[sflag:s21] =	ssyncset.done $0x0  }
0x155: {  	[sflag:s21] =	ssyncadd.s32 $0xFFFFFF00  }
0x156: {  	[tilespmem:s22], [sflag:$0x5] =	stream.indirect.gather [hbm4b:s6+s19], $0x80, s16, s19, $0xb8;
	[tilespmem:$0x1CF00] =	vst v63  }
0x157: {  	_ =	swait.ge [sflag:s23], $0x100  }
0x158: {  	[sflag:s23] =	ssyncset.done $0x0  }
0x159: {  	[sflag:s23] =	ssyncadd.s32 $0xFFFFFF00  }
0x15a: {  	[tilespmem:s24], [sflag:$0x6] =	stream.indirect.gather [hbm4b:s6+s19], $0x80, s17, s19, $0xb8;
	[tilespmem:$0x1CF00] =	vst v63  }
0x15b: {  	_ =	swait.ge [sflag:s25], $0x3000  }
0x15c: {  	[sflag:s25] =	ssyncset.done $0x0  }
0x15d: {  	[sflag:s25] =	ssyncadd.s32 $0xFFFFD000  }
0x15e: {  	[spmem:s3] =	stream.indirect.scatter.add.f32 [tilespmem:s20], [sflag:$0x7], $0x80, s26, s19, $0xb8;
	[tilespmem:$0x1CF00] =	vst v63  }
0x15f: {  	_ =	swait.ge [sflag:s28], $0x3000  }
0x160: {  	[sflag:s28] =	ssyncset.done $0x0  }
0x161: {  	[sflag:s28] =	ssyncadd.s32 $0xFFFFD000  }
0x162: {  	[spmem:s3] =	stream.indirect.scatter.add.f32 [tilespmem:s22], [sflag:$0x8], $0x80, s29, s19, $0xb8;
	[tilespmem:$0x1CF00] =	vst v63  }
0x163: {  	_ =	swait.ge [sflag:s30], $0x3000  }
0x164: {  	[sflag:s30] =	ssyncset.done $0x0  }
0x165: {  	[sflag:s30] =	ssyncadd.s32 $0xFFFFD000  }
0x166: {  	[spmem:s3] =	stream.indirect.scatter.add.f32 [tilespmem:s24], [sflag:$0x9], $0x80, s31, s19, $0xb8;
	[tilespmem:$0x1CF00] =	vst v63  }
0x167: {  	_ =	swait.ge [sflag:s0], $0x3000  }
0x168: {  	[sflag:s0] =	ssyncset.done $0x0  }
0x169: {  	[sflag:s0] =	ssyncadd.s32 $0xFFFFD000  }
.Ltmp2:
0x16a: {  	_ =	swait.ge [sflag:s5], $0x3000;
	(pc) =	sbr.rel @p0 .LBB2_6-.Ltmp2, $4  }
0x16b: {  	[sflag:s5] =	ssyncset.done $0x0  }
0x16c: {  	[sflag:s5] =	ssyncadd.s32 $0xFFFFD000  }
0x16d: {  	_ =	swait.ge [sflag:s9], $0x3000  }
0x16e: {  	s7 =	smov.u32 s12;
	[sflag:s9] =	ssyncset.done $0x0  }
0x16f: {  	s7 =	sadd.s32 s11, s13;
	[sflag:s9] =	ssyncadd.s32 $0xFFFFD000  }
0x170: {  	[tilespmem:s4], [sflag:$0x1] =	stream.linear.gather [hbm4b:s7+s4], $0x100, $0x38;
	[tilespmem:$0x1CF00] =	vst v63  }
0x171: {  	s8 =	sadd.s32 $0x20, s7  }
0x172: {  	[tilespmem:s16], [sflag:$0x2] =	stream.linear.gather [hbm4b:s8+s4], $0x100, $0x38;
	[tilespmem:$0x1CF00] =	vst v63  }
0x173: {  	s7 =	sadd.s32 $0x40, s7  }
0x174: {  	[tilespmem:s17], [sflag:$0x3] =	stream.linear.gather [hbm4b:s7+s4], $0x100, $0x38;
	[tilespmem:$0x1CF00] =	vst v63  }
0x175: {  	_ =	swait.ge [sflag:s18], $0x100  }
0x176: {  	[sflag:s18] =	ssyncset.done $0x0  }
0x177: {  	[sflag:s18] =	ssyncadd.s32 $0xFFFFFF00  }
0x178: {  	[tilespmem:s20], [sflag:$0x4] =	stream.indirect.gather [hbm4b:s6+s19], $0x80, s4, s19, $0xb8;
	[tilespmem:$0x1CF00] =	vst v63  }
0x179: {  	_ =	swait.ge [sflag:s21], $0x100  }
0x17a: {  	[sflag:s21] =	ssyncset.done $0x0  }
0x17b: {  	[sflag:s21] =	ssyncadd.s32 $0xFFFFFF00  }
0x17c: {  	[tilespmem:s22], [sflag:$0x5] =	stream.indirect.gather [hbm4b:s6+s19], $0x80, s16, s19, $0xb8;
	[tilespmem:$0x1CF00] =	vst v63  }
0x17d: {  	_ =	swait.ge [sflag:s23], $0x100  }
0x17e: {  	[sflag:s23] =	ssyncset.done $0x0  }
0x17f: {  	[sflag:s23] =	ssyncadd.s32 $0xFFFFFF00  }
0x180: {  	[tilespmem:s24], [sflag:$0x6] =	stream.indirect.gather [hbm4b:s6+s19], $0x80, s17, s19, $0xb8;
	[tilespmem:$0x1CF00] =	vst v63  }
0x181: {  	_ =	swait.ge [sflag:s25], $0x3000  }
0x182: {  	[sflag:s25] =	ssyncset.done $0x0  }
0x183: {  	[sflag:s25] =	ssyncadd.s32 $0xFFFFD000  }
0x184: {  	[spmem:s3] =	stream.indirect.scatter.add.f32 [tilespmem:s20], [sflag:$0x7], $0x80, s26, s19, $0xb8;
	[tilespmem:$0x1CF00] =	vst v63  }
0x185: {  	_ =	swait.ge [sflag:s28], $0x3000  }
0x186: {  	[sflag:s28] =	ssyncset.done $0x0  }
0x187: {  	[sflag:s28] =	ssyncadd.s32 $0xFFFFD000  }
0x188: {  	[spmem:s3] =	stream.indirect.scatter.add.f32 [tilespmem:s22], [sflag:$0x8], $0x80, s29, s19, $0xb8;
	[tilespmem:$0x1CF00] =	vst v63  }
0x189: {  	_ =	swait.ge [sflag:s30], $0x3000  }
0x18a: {  	[sflag:s30] =	ssyncset.done $0x0  }
0x18b: {  	[sflag:s30] =	ssyncadd.s32 $0xFFFFD000  }
0x18c: {  	[spmem:s3] =	stream.indirect.scatter.add.f32 [tilespmem:s24], [sflag:$0x9], $0x80, s31, s19, $0xb8;
	[tilespmem:$0x1CF00] =	vst v63  }
0x18d: {  	_ =	swait.ge [sflag:s0], $0x3000  }
0x18e: {  	[sflag:s0] =	ssyncset.done $0x0  }
0x18f: {  	[sflag:s0] =	ssyncadd.s32 $0xFFFFD000  }
0x190: {  	_ =	swait.ge [sflag:s5], $0x3000  }
0x191: {  	[sflag:s5] =	ssyncset.done $0x0  }
0x192: {  	[sflag:s5] =	ssyncadd.s32 $0xFFFFD000  }
0x193: {  	_ =	swait.ge [sflag:s9], $0x3000  }
0x194: {  	[sflag:s9] =	ssyncset.done $0x0  }
0x195: {  	[sflag:s9] =	ssyncadd.s32 $0xFFFFD000  }
0x196: {  	[bflag:$0x0] =	sbarrier.arrive $0xFFFF  }
0x197: {  	s8 =	rddreg [dreg:$0x6]  }
0x198: {  	s11 =	rddreg [dreg:$0xa]  }
0x199: {  	[hbm:s11], [sflag:s8] =	dma.local [spmem:s14], $0x2780  }
0x19a: {  	_ =	swait.ge [sflag:s15], $0x2780  }
0x19b: {  	s10 =	sadd.s32 $0x1, s10;
	s12 =	rddreg [dreg:$0x7]  }
0x19c: {  	p0 =	sne.s32 s10, s12  }
.Ltmp3:
0x19d: {  	_ = 	snop;
	(pc) =	sbr.rel @p0 .LBB2_1-.Ltmp3, $3  }
0x19e: {  	[sflag:s15] =	ssyncset.done $0x0  }
0x19f: {  	[sflag:s15] =	ssyncadd.s32 $0xFFFFD880  }
0x1a0: {  	[bflag:$0x0] =	sbarrier.arrive $0xFFFF;
	_ =	sdelay $0x1  }
0x1a1: {  	_ =	sfence.sel $0x180000  }
0x1a2: {  	[bflag:$0x0] =	sbarrier.arrive $0xFFFF  }
0x1a3: {  	_ =	strace $0x90000047  }
0x1a4: {  	s0 =	stileid.u32;
	[bflag:$0x2] =	sbarrier.arrive $0xFFFF  }
0x1a5: {  	p0 =	sne.s32 s0, $0x0;
	s0 =	rddreg [dreg:$0x4]  }
0x1a6: {  	s0 =	sadd.s32 @!p0 $0x100000, s0  }
0x1a7: {  	[sflag:s0] =	ssyncadd.tile.s32 @!p0 $0x1;
	_ =	shalt  }
.Lfunc_end2:
_tile_overlayer_lowered:
.L_overlay_start_2:
0x1a8: {  	(tag) =	ssettag $0x2  }
0x1a9: {  	s0 =	rddreg [dreg:$0x0];
	s2 =	stileid.u32  }
0x1aa: {  	s1 =	rddreg [dreg:$0x1];
	p0 =	sne.s32 s2, $0x0  }
0x1ab: {  	s3 =	rddreg [dreg:$0x2];
	[bflag:$0x3] =	sbarrier.arrive $0xFFFF;
	s2 =	simm.s32 @!p0 $0x1C0A  }
0x1ac: {  	[timem:s3], [sflag:s2] =	dma.local @!p0 [hbm:s0], s1  }
0x1ad: {  	s0 =	simm.s32 @!p0 $0xA  }
0x1ae: {  	_ =	swait.ge @!p0 [sflag:s0], s1  }
0x1af: {  	s1 =	ssub.s32 @!p0 $0x0, s1;
	[sflag:s0] =	ssyncset.done @!p0 $0x0  }
0x1b0: {  	[sflag:s0] =	ssyncadd.s32 @!p0 s1  }
0x1b1: {  	[bflag:$0x3] =	sbarrier.arrive $0xFFFF  }
0x1b2: {  	_ =	shalt  }

</sc_bundles>
